<compile_context>
chip_gen: v7x
topology: tpu7x:2x2x1
jax: 0.10.2.dev20260603
libtpu: 0.0.44.dev20260713+nightly
codegen_flags: <defaults>
</compile_context>

<pallas_src>
import functools

import jax
import jax.numpy as jnp
from jax import lax
from jax.experimental import pallas as pl
from jax.experimental.pallas import tpu as pltpu
from jax.experimental.pallas import tpu_sc as plsc

_NC, _NS = 2, 16
_NW = _NC * _NS
_CH = 128
_BR = 1024


def _transpose_block(lo_ref, hi_ref, o_ref):
    z = jnp.concatenate([lo_ref[...], hi_ref[...]], axis=0)
    ident = jnp.eye(z.shape[0], dtype=z.dtype)
    o_ref[...] = jax.lax.dot_general(
        z, ident, (((0,), (0,)), ((), ())),
        preferred_element_type=z.dtype)


@functools.lru_cache(maxsize=None)
def _make_repack(C, R, dtype_name):
    dtype = jnp.dtype(dtype_name)
    grid = (R + 2 * _BR - 1) // (2 * _BR)
    return pl.pallas_call(
        _transpose_block,
        grid=(grid,),
        in_specs=[
            pl.BlockSpec((C, _BR), lambda k: (0, 2 * k)),
            pl.BlockSpec((C, _BR), lambda k: (0, 2 * k + 1)),
        ],
        out_specs=pl.BlockSpec((_BR, 2 * C), lambda k: (k, 0)),
        out_shape=jax.ShapeDtypeStruct((grid * _BR, 2 * C), dtype),
    )


@functools.lru_cache(maxsize=None)
def _make_gather(B, DP, dtype_name):
    dtype = jnp.dtype(dtype_name)
    b_per_w = B // _NW
    n_ch = b_per_w // _CH
    mesh = plsc.VectorSubcoreMesh(
        core_axis_name="c", subcore_axis_name="s",
        num_cores=_NC, num_subcores=_NS)

    @functools.partial(
        pl.kernel,
        out_type=jax.ShapeDtypeStruct((B, DP), dtype),
        mesh=mesh,
        scratch_types=[
            pltpu.VMEM((n_ch, _CH), jnp.int32),
            pltpu.VMEM((2, _CH, DP), dtype),
            pltpu.SemaphoreType.DMA,
        ],
        compiler_params=pltpu.CompilerParams(use_tc_tiling_on_sc=True),
    )
    def gather_kernel(idx_hbm, tbl_hbm, out_hbm, idx_v, buf_v, sem):
        wid = lax.axis_index("s") * _NC + lax.axis_index("c")
        base = wid * b_per_w
        pltpu.sync_copy(idx_hbm.at[wid], idx_v)
        copies = [None, None]
        for j in range(n_ch):
            b = j % 2
            if copies[b] is not None:
                copies[b].wait()
                pltpu.sync_copy(
                    buf_v.at[b],
                    out_hbm.at[pl.ds(base + (j - 2) * _CH, _CH)])
            copies[b] = pltpu.async_copy(
                tbl_hbm.at[idx_v.at[j]], buf_v.at[b], sem)
        for j in range(max(n_ch - 2, 0), n_ch):
            b = j % 2
            copies[b].wait()
            pltpu.sync_copy(
                buf_v.at[b], out_hbm.at[pl.ds(base + j * _CH, _CH)])

    return gather_kernel


def kernel(inputs, users_table, items_table):
    B = inputs.shape[0]
    V, D = users_table.shape
    b_per_w = B // _NW
    n_ch = b_per_w // _CH
    dt = str(users_table.dtype)
    repack = _make_repack(D, V, dt)
    gather = _make_gather(B, 2 * D, dt)
    ut, it_ = users_table.T, items_table.T
    up = repack(ut, ut)
    ip = repack(it_, it_)
    r_u, r_i = inputs[:, 0], inputs[:, 1]
    sidx_u = (((r_u >> 11) << 10) | (r_u & 1023)).reshape(_NW, n_ch, _CH)
    sidx_i = (((r_i >> 11) << 10) | (r_i & 1023)).reshape(_NW, n_ch, _CH)
    u128 = gather(sidx_u, up)
    i128 = gather(sidx_i, ip)
    u = jnp.where((r_u & 1024)[:, None] != 0, u128[:, D:], u128[:, :D])
    i = jnp.where((r_i & 1024)[:, None] != 0, i128[:, D:], i128[:, :D])
    return (u, i)

# --- scband reference (transcript-rebuilt; emitter-appended) ---
"""Pipeline reference for scband-user-item-embedding-6116033429868 (READ-ONLY COPY).

The authoritative reference and input builder live on the scoring server;
editing this copy changes nothing except your own understanding.
"""

import jax, jax.numpy as jnp
import numpy as np

NUM_USERS = 100000
NUM_ITEMS = 100000
DIM = 64
BATCH = 16384


def setup_inputs(seed: int = 0) -> dict:
    key = jax.random.key(seed)
    k1, k2, k3 = jax.random.split(key, 3)
    # The original module stores one tf.Variable per user/item id in python dicts.
    # Functionally this is equivalent to two dense embedding tables indexed by id.
    users_table = jax.random.normal(k1, (NUM_USERS, DIM), dtype=jnp.float32)
    items_table = jax.random.normal(k2, (NUM_ITEMS, DIM), dtype=jnp.float32)
    inputs = jax.random.randint(k3, (BATCH, 2), 0, NUM_USERS, dtype=jnp.int32)
    return {"inputs": inputs, "users_table": users_table, "items_table": items_table}


def reference(inputs, users_table, items_table):
    # call: u = stack of users_embedding[user_id] for each (user_id, item_id) pair
    #       i = stack of items_embedding[item_id]
    # Dict-of-variables lookup + tf.stack == row gather from a dense table.
    u = jnp.take(users_table, inputs[:, 0], axis=0)
    i = jnp.take(items_table, inputs[:, 1], axis=0)
    return (u, i)

if __name__ == "__main__":
    import jax
    _d = setup_inputs()
    print(jax.jit(kernel)(*tuple(_d.values())))

</pallas_src>

<mosaic_0001>
#map = affine_map<(d0, d1) -> (0, 0, 0)>
#map1 = affine_map<(d0, d1) -> (0, 0)>
module attributes {stable_mosaic.version = 14 : i64} {
  func.func @gather_kernel(%arg0: i32, %arg1: i32, %arg2: memref<32x4x128xi32, #tpu.memory_space<hbm>>, %arg3: memref<50176x128xf32, #tpu.memory_space<hbm>>, %arg4: memref<16384x128xf32, #tpu.memory_space<hbm>>, %arg5: memref<4x128xi32, #tpu.memory_space<vmem>>, %arg6: memref<2x128x128xf32, #tpu.memory_space<vmem>>, %arg7: memref<!tpu.dma_semaphore, #tpu.memory_space<semaphore_mem>>) attributes {dimension_semantics = [#tpu.dimension_semantics<core_parallel>, #tpu.dimension_semantics<subcore_parallel>], iteration_bounds = array<i64: 2, 16>, scalar_prefetch = 0 : i64, scratch_operands = 3 : i64, tpu.core_type = #tpu.core_type<sc_vector_subcore>, window_params = [{transform_indices = #map}, {transform_indices = #map1}, {transform_indices = #map1}]} {
    %mul3A = arith.constant 2 : i32
    %mul3A_0 = arith.muli %arg1, %mul3A : i32
    %add3A = arith.addi %mul3A_0, %arg0 : i32
    %mul3A_1 = arith.constant 512 : i32
    %mul3A_2 = arith.muli %add3A, %mul3A_1 : i32
    "tpu.region"() ({
      %run_scoped3A_108 = tpu.sem_alloc : memref<!tpu.dma_semaphore, #tpu.memory_space<semaphore_mem>>
      %dma_start3A_109 = arith.constant 0 : i32
      %dma_start3A_110 = arith.constant 0 : i32
      %dma_start3A_111 = tpu.memref_slice %arg2[%add3A, %dma_start3A_109, %dma_start3A_110] : memref<32x4x128xi32, #tpu.memory_space<hbm>> -> memref<1x4x128xi32, #tpu.memory_space<hbm>>
      %dma_start3A_112 = tpu.memref_squeeze %dma_start3A_111 : memref<1x4x128xi32, #tpu.memory_space<hbm>> -> memref<4x128xi32, #tpu.memory_space<hbm>>
      %dma_start3A_113 = arith.constant 0 : i32
      %dma_start3A_114 = arith.constant 0 : i32
      %dma_start3A_115 = tpu.memref_slice %arg2[%add3A, %dma_start3A_113, %dma_start3A_114] : memref<32x4x128xi32, #tpu.memory_space<hbm>> -> memref<1x4x128xi32, #tpu.memory_space<hbm>>
      %dma_start3A_116 = tpu.memref_squeeze %dma_start3A_115 : memref<1x4x128xi32, #tpu.memory_space<hbm>> -> memref<4x128xi32, #tpu.memory_space<hbm>>
      tpu.enqueue_dma source(%dma_start3A_116 : memref<4x128xi32, #tpu.memory_space<hbm>>) target(%arg5 : memref<4x128xi32, #tpu.memory_space<vmem>>) target_semaphore(%run_scoped3A_108 : memref<!tpu.dma_semaphore, #tpu.memory_space<semaphore_mem>>)
      %dma_wait3A_117 = arith.constant 0 : i32
      %dma_wait3A_118 = arith.constant 0 : i32
      %dma_wait3A_119 = tpu.memref_slice %arg2[%add3A, %dma_wait3A_117, %dma_wait3A_118] : memref<32x4x128xi32, #tpu.memory_space<hbm>> -> memref<1x4x128xi32, #tpu.memory_space<hbm>>
      %dma_wait3A_120 = tpu.memref_squeeze %dma_wait3A_119 : memref<1x4x128xi32, #tpu.memory_space<hbm>> -> memref<4x128xi32, #tpu.memory_space<hbm>>
      %dma_wait3A_121 = arith.constant 0 : i32
      %dma_wait3A_122 = arith.constant 0 : i32
      %dma_wait3A_123 = tpu.memref_slice %arg2[%add3A, %dma_wait3A_121, %dma_wait3A_122] : memref<32x4x128xi32, #tpu.memory_space<hbm>> -> memref<1x4x128xi32, #tpu.memory_space<hbm>>
      %dma_wait3A_124 = tpu.memref_squeeze %dma_wait3A_123 : memref<1x4x128xi32, #tpu.memory_space<hbm>> -> memref<4x128xi32, #tpu.memory_space<hbm>>
      tpu.wait_dma2 semaphore(%run_scoped3A_108 : memref<!tpu.dma_semaphore, #tpu.memory_space<semaphore_mem>>) src(%dma_wait3A_124 : memref<4x128xi32, #tpu.memory_space<hbm>>) dst(%arg5 : memref<4x128xi32, #tpu.memory_space<vmem>>)
      tpu.yield
    }) : () -> ()
    %dma_start3A = arith.constant 0 : i32
    %dma_start3A_3 = arith.constant 0 : i32
    %dma_start3A_4 = arith.constant 0 : i32
    %dma_start3A_5 = arith.constant 0 : i32
    %dma_start3A_6 = tpu.memref_slice %arg6[%dma_start3A_3, %dma_start3A_4, %dma_start3A_5] : memref<2x128x128xf32, #tpu.memory_space<vmem>> -> memref<1x128x128xf32, #tpu.memory_space<vmem>>
    %dma_start3A_7 = tpu.memref_squeeze %dma_start3A_6 : memref<1x128x128xf32, #tpu.memory_space<vmem>> -> memref<128x128xf32, #tpu.memory_space<vmem>>
    %dma_start3A_8 = arith.constant 0 : i32
    %dma_start3A_9 = tpu.memref_slice %arg5[%dma_start3A, %dma_start3A_8] : memref<4x128xi32, #tpu.memory_space<vmem>> -> memref<1x128xi32, #tpu.memory_space<vmem>>
    %dma_start3A_10 = tpu.memref_squeeze %dma_start3A_9 : memref<1x128xi32, #tpu.memory_space<vmem>> -> memref<128xi32, #tpu.memory_space<vmem>>
    %dma_start3A_11 = arith.constant 0 : i32
    %dma_start3A_12 = arith.constant 0 : i32
    %dma_start3A_13 = tpu.memref_slice %arg3[%dma_start3A_11, %dma_start3A_12] : memref<50176x128xf32, #tpu.memory_space<hbm>> -> memref<50176x128xf32, #tpu.memory_space<hbm>>
    tpu.enqueue_indirect_dma source(%dma_start3A_13 : memref<50176x128xf32, #tpu.memory_space<hbm>>) target(%dma_start3A_7 : memref<128x128xf32, #tpu.memory_space<vmem>>) offsets(%dma_start3A_10 : memref<128xi32, #tpu.memory_space<vmem>>) semaphore(%arg7 : memref<!tpu.dma_semaphore, #tpu.memory_space<semaphore_mem>>)
    %dma_start3A_14 = arith.constant 1 : i32
    %dma_start3A_15 = arith.constant 1 : i32
    %dma_start3A_16 = arith.constant 0 : i32
    %dma_start3A_17 = arith.constant 0 : i32
    %dma_start3A_18 = tpu.memref_slice %arg6[%dma_start3A_15, %dma_start3A_16, %dma_start3A_17] : memref<2x128x128xf32, #tpu.memory_space<vmem>> -> memref<1x128x128xf32, #tpu.memory_space<vmem>>
    %dma_start3A_19 = tpu.memref_squeeze %dma_start3A_18 : memref<1x128x128xf32, #tpu.memory_space<vmem>> -> memref<128x128xf32, #tpu.memory_space<vmem>>
    %dma_start3A_20 = arith.constant 0 : i32
    %dma_start3A_21 = tpu.memref_slice %arg5[%dma_start3A_14, %dma_start3A_20] : memref<4x128xi32, #tpu.memory_space<vmem>> -> memref<1x128xi32, #tpu.memory_space<vmem>>
    %dma_start3A_22 = tpu.memref_squeeze %dma_start3A_21 : memref<1x128xi32, #tpu.memory_space<vmem>> -> memref<128xi32, #tpu.memory_space<vmem>>
    %dma_start3A_23 = arith.constant 0 : i32
    %dma_start3A_24 = arith.constant 0 : i32
    %dma_start3A_25 = tpu.memref_slice %arg3[%dma_start3A_23, %dma_start3A_24] : memref<50176x128xf32, #tpu.memory_space<hbm>> -> memref<50176x128xf32, #tpu.memory_space<hbm>>
    tpu.enqueue_indirect_dma source(%dma_start3A_25 : memref<50176x128xf32, #tpu.memory_space<hbm>>) target(%dma_start3A_19 : memref<128x128xf32, #tpu.memory_space<vmem>>) offsets(%dma_start3A_22 : memref<128xi32, #tpu.memory_space<vmem>>) semaphore(%arg7 : memref<!tpu.dma_semaphore, #tpu.memory_space<semaphore_mem>>)
    %dma_wait3A = arith.constant 0 : i32
    %dma_wait3A_26 = arith.constant 0 : i32
    %dma_wait3A_27 = arith.constant 0 : i32
    %dma_wait3A_28 = arith.constant 0 : i32
    %dma_wait3A_29 = tpu.memref_slice %arg6[%dma_wait3A_26, %dma_wait3A_27, %dma_wait3A_28] : memref<2x128x128xf32, #tpu.memory_space<vmem>> -> memref<1x128x128xf32, #tpu.memory_space<vmem>>
    %dma_wait3A_30 = tpu.memref_squeeze %dma_wait3A_29 : memref<1x128x128xf32, #tpu.memory_space<vmem>> -> memref<128x128xf32, #tpu.memory_space<vmem>>
    %dma_wait3A_31 = arith.constant 0 : i32
    %dma_wait3A_32 = tpu.memref_slice %arg5[%dma_wait3A, %dma_wait3A_31] : memref<4x128xi32, #tpu.memory_space<vmem>> -> memref<1x128xi32, #tpu.memory_space<vmem>>
    %dma_wait3A_33 = tpu.memref_squeeze %dma_wait3A_32 : memref<1x128xi32, #tpu.memory_space<vmem>> -> memref<128xi32, #tpu.memory_space<vmem>>
    %dma_wait3A_34 = arith.constant 0 : i32
    %dma_wait3A_35 = arith.constant 0 : i32
    %dma_wait3A_36 = tpu.memref_slice %arg3[%dma_wait3A_34, %dma_wait3A_35] : memref<50176x128xf32, #tpu.memory_space<hbm>> -> memref<50176x128xf32, #tpu.memory_space<hbm>>
    tpu.wait_indirect_dma semaphore(%arg7 : memref<!tpu.dma_semaphore, #tpu.memory_space<semaphore_mem>>) src(%dma_wait3A_36 : memref<50176x128xf32, #tpu.memory_space<hbm>>) dst(%dma_wait3A_30 : memref<128x128xf32, #tpu.memory_space<vmem>>)
    %add3A_37 = arith.constant 0 : i32
    %add3A_38 = arith.addi %mul3A_2, %add3A_37 : i32
    %run_scoped3A = arith.constant 0 : i32
    "tpu.region"() ({
      %run_scoped3A_108 = tpu.sem_alloc : memref<!tpu.dma_semaphore, #tpu.memory_space<semaphore_mem>>
      %dma_start3A_109 = arith.constant 0 : i32
      %dma_start3A_110 = arith.constant 0 : i32
      %dma_start3A_111 = tpu.memref_slice %arg6[%run_scoped3A, %dma_start3A_109, %dma_start3A_110] : memref<2x128x128xf32, #tpu.memory_space<vmem>> -> memref<1x128x128xf32, #tpu.memory_space<vmem>>
      %dma_start3A_112 = tpu.memref_squeeze %dma_start3A_111 : memref<1x128x128xf32, #tpu.memory_space<vmem>> -> memref<128x128xf32, #tpu.memory_space<vmem>>
      %dma_start3A_113 = arith.constant 0 : i32
      %dma_start3A_114 = tpu.memref_slice %arg4[%add3A_38, %dma_start3A_113] : memref<16384x128xf32, #tpu.memory_space<hbm>> -> memref<128x128xf32, #tpu.memory_space<hbm>>
      %dma_start3A_115 = arith.constant 0 : i32
      %dma_start3A_116 = tpu.memref_slice %arg4[%add3A_38, %dma_start3A_115] : memref<16384x128xf32, #tpu.memory_space<hbm>> -> memref<128x128xf32, #tpu.memory_space<hbm>>
      %dma_start3A_117 = arith.constant 0 : i32
      %dma_start3A_118 = arith.constant 0 : i32
      %dma_start3A_119 = tpu.memref_slice %arg6[%run_scoped3A, %dma_start3A_117, %dma_start3A_118] : memref<2x128x128xf32, #tpu.memory_space<vmem>> -> memref<1x128x128xf32, #tpu.memory_space<vmem>>
      %dma_start3A_120 = tpu.memref_squeeze %dma_start3A_119 : memref<1x128x128xf32, #tpu.memory_space<vmem>> -> memref<128x128xf32, #tpu.memory_space<vmem>>
      tpu.enqueue_dma source(%dma_start3A_120 : memref<128x128xf32, #tpu.memory_space<vmem>>) target(%dma_start3A_116 : memref<128x128xf32, #tpu.memory_space<hbm>>) target_semaphore(%run_scoped3A_108 : memref<!tpu.dma_semaphore, #tpu.memory_space<semaphore_mem>>)
      %dma_wait3A_121 = arith.constant 0 : i32
      %dma_wait3A_122 = arith.constant 0 : i32
      %dma_wait3A_123 = tpu.memref_slice %arg6[%run_scoped3A, %dma_wait3A_121, %dma_wait3A_122] : memref<2x128x128xf32, #tpu.memory_space<vmem>> -> memref<1x128x128xf32, #tpu.memory_space<vmem>>
      %dma_wait3A_124 = tpu.memref_squeeze %dma_wait3A_123 : memref<1x128x128xf32, #tpu.memory_space<vmem>> -> memref<128x128xf32, #tpu.memory_space<vmem>>
      %dma_wait3A_125 = arith.constant 0 : i32
      %dma_wait3A_126 = tpu.memref_slice %arg4[%add3A_38, %dma_wait3A_125] : memref<16384x128xf32, #tpu.memory_space<hbm>> -> memref<128x128xf32, #tpu.memory_space<hbm>>
      %dma_wait3A_127 = arith.constant 0 : i32
      %dma_wait3A_128 = tpu.memref_slice %arg4[%add3A_38, %dma_wait3A_127] : memref<16384x128xf32, #tpu.memory_space<hbm>> -> memref<128x128xf32, #tpu.memory_space<hbm>>
      %dma_wait3A_129 = arith.constant 0 : i32
      %dma_wait3A_130 = arith.constant 0 : i32
      %dma_wait3A_131 = tpu.memref_slice %arg6[%run_scoped3A, %dma_wait3A_129, %dma_wait3A_130] : memref<2x128x128xf32, #tpu.memory_space<vmem>> -> memref<1x128x128xf32, #tpu.memory_space<vmem>>
      %dma_wait3A_132 = tpu.memref_squeeze %dma_wait3A_131 : memref<1x128x128xf32, #tpu.memory_space<vmem>> -> memref<128x128xf32, #tpu.memory_space<vmem>>
      tpu.wait_dma2 semaphore(%run_scoped3A_108 : memref<!tpu.dma_semaphore, #tpu.memory_space<semaphore_mem>>) src(%dma_wait3A_132 : memref<128x128xf32, #tpu.memory_space<vmem>>) dst(%dma_wait3A_128 : memref<128x128xf32, #tpu.memory_space<hbm>>)
      tpu.yield
    }) : () -> ()
    %dma_start3A_39 = arith.constant 2 : i32
    %dma_start3A_40 = arith.constant 0 : i32
    %dma_start3A_41 = arith.constant 0 : i32
    %dma_start3A_42 = arith.constant 0 : i32
    %dma_start3A_43 = tpu.memref_slice %arg6[%dma_start3A_40, %dma_start3A_41, %dma_start3A_42] : memref<2x128x128xf32, #tpu.memory_space<vmem>> -> memref<1x128x128xf32, #tpu.memory_space<vmem>>
    %dma_start3A_44 = tpu.memref_squeeze %dma_start3A_43 : memref<1x128x128xf32, #tpu.memory_space<vmem>> -> memref<128x128xf32, #tpu.memory_space<vmem>>
    %dma_start3A_45 = arith.constant 0 : i32
    %dma_start3A_46 = tpu.memref_slice %arg5[%dma_start3A_39, %dma_start3A_45] : memref<4x128xi32, #tpu.memory_space<vmem>> -> memref<1x128xi32, #tpu.memory_space<vmem>>
    %dma_start3A_47 = tpu.memref_squeeze %dma_start3A_46 : memref<1x128xi32, #tpu.memory_space<vmem>> -> memref<128xi32, #tpu.memory_space<vmem>>
    %dma_start3A_48 = arith.constant 0 : i32
    %dma_start3A_49 = arith.constant 0 : i32
    %dma_start3A_50 = tpu.memref_slice %arg3[%dma_start3A_48, %dma_start3A_49] : memref<50176x128xf32, #tpu.memory_space<hbm>> -> memref<50176x128xf32, #tpu.memory_space<hbm>>
    tpu.enqueue_indirect_dma source(%dma_start3A_50 : memref<50176x128xf32, #tpu.memory_space<hbm>>) target(%dma_start3A_44 : memref<128x128xf32, #tpu.memory_space<vmem>>) offsets(%dma_start3A_47 : memref<128xi32, #tpu.memory_space<vmem>>) semaphore(%arg7 : memref<!tpu.dma_semaphore, #tpu.memory_space<semaphore_mem>>)
    %dma_wait3A_51 = arith.constant 1 : i32
    %dma_wait3A_52 = arith.constant 1 : i32
    %dma_wait3A_53 = arith.constant 0 : i32
    %dma_wait3A_54 = arith.constant 0 : i32
    %dma_wait3A_55 = tpu.memref_slice %arg6[%dma_wait3A_52, %dma_wait3A_53, %dma_wait3A_54] : memref<2x128x128xf32, #tpu.memory_space<vmem>> -> memref<1x128x128xf32, #tpu.memory_space<vmem>>
    %dma_wait3A_56 = tpu.memref_squeeze %dma_wait3A_55 : memref<1x128x128xf32, #tpu.memory_space<vmem>> -> memref<128x128xf32, #tpu.memory_space<vmem>>
    %dma_wait3A_57 = arith.constant 0 : i32
    %dma_wait3A_58 = tpu.memref_slice %arg5[%dma_wait3A_51, %dma_wait3A_57] : memref<4x128xi32, #tpu.memory_space<vmem>> -> memref<1x128xi32, #tpu.memory_space<vmem>>
    %dma_wait3A_59 = tpu.memref_squeeze %dma_wait3A_58 : memref<1x128xi32, #tpu.memory_space<vmem>> -> memref<128xi32, #tpu.memory_space<vmem>>
    %dma_wait3A_60 = arith.constant 0 : i32
    %dma_wait3A_61 = arith.constant 0 : i32
    %dma_wait3A_62 = tpu.memref_slice %arg3[%dma_wait3A_60, %dma_wait3A_61] : memref<50176x128xf32, #tpu.memory_space<hbm>> -> memref<50176x128xf32, #tpu.memory_space<hbm>>
    tpu.wait_indirect_dma semaphore(%arg7 : memref<!tpu.dma_semaphore, #tpu.memory_space<semaphore_mem>>) src(%dma_wait3A_62 : memref<50176x128xf32, #tpu.memory_space<hbm>>) dst(%dma_wait3A_56 : memref<128x128xf32, #tpu.memory_space<vmem>>)
    %add3A_63 = arith.constant 128 : i32
    %add3A_64 = arith.addi %mul3A_2, %add3A_63 : i32
    %run_scoped3A_65 = arith.constant 1 : i32
    "tpu.region"() ({
      %run_scoped3A_108 = tpu.sem_alloc : memref<!tpu.dma_semaphore, #tpu.memory_space<semaphore_mem>>
      %dma_start3A_109 = arith.constant 0 : i32
      %dma_start3A_110 = arith.constant 0 : i32
      %dma_start3A_111 = tpu.memref_slice %arg6[%run_scoped3A_65, %dma_start3A_109, %dma_start3A_110] : memref<2x128x128xf32, #tpu.memory_space<vmem>> -> memref<1x128x128xf32, #tpu.memory_space<vmem>>
      %dma_start3A_112 = tpu.memref_squeeze %dma_start3A_111 : memref<1x128x128xf32, #tpu.memory_space<vmem>> -> memref<128x128xf32, #tpu.memory_space<vmem>>
      %dma_start3A_113 = arith.constant 0 : i32
      %dma_start3A_114 = tpu.memref_slice %arg4[%add3A_64, %dma_start3A_113] : memref<16384x128xf32, #tpu.memory_space<hbm>> -> memref<128x128xf32, #tpu.memory_space<hbm>>
      %dma_start3A_115 = arith.constant 0 : i32
      %dma_start3A_116 = tpu.memref_slice %arg4[%add3A_64, %dma_start3A_115] : memref<16384x128xf32, #tpu.memory_space<hbm>> -> memref<128x128xf32, #tpu.memory_space<hbm>>
      %dma_start3A_117 = arith.constant 0 : i32
      %dma_start3A_118 = arith.constant 0 : i32
      %dma_start3A_119 = tpu.memref_slice %arg6[%run_scoped3A_65, %dma_start3A_117, %dma_start3A_118] : memref<2x128x128xf32, #tpu.memory_space<vmem>> -> memref<1x128x128xf32, #tpu.memory_space<vmem>>
      %dma_start3A_120 = tpu.memref_squeeze %dma_start3A_119 : memref<1x128x128xf32, #tpu.memory_space<vmem>> -> memref<128x128xf32, #tpu.memory_space<vmem>>
      tpu.enqueue_dma source(%dma_start3A_120 : memref<128x128xf32, #tpu.memory_space<vmem>>) target(%dma_start3A_116 : memref<128x128xf32, #tpu.memory_space<hbm>>) target_semaphore(%run_scoped3A_108 : memref<!tpu.dma_semaphore, #tpu.memory_space<semaphore_mem>>)
      %dma_wait3A_121 = arith.constant 0 : i32
      %dma_wait3A_122 = arith.constant 0 : i32
      %dma_wait3A_123 = tpu.memref_slice %arg6[%run_scoped3A_65, %dma_wait3A_121, %dma_wait3A_122] : memref<2x128x128xf32, #tpu.memory_space<vmem>> -> memref<1x128x128xf32, #tpu.memory_space<vmem>>
      %dma_wait3A_124 = tpu.memref_squeeze %dma_wait3A_123 : memref<1x128x128xf32, #tpu.memory_space<vmem>> -> memref<128x128xf32, #tpu.memory_space<vmem>>
      %dma_wait3A_125 = arith.constant 0 : i32
      %dma_wait3A_126 = tpu.memref_slice %arg4[%add3A_64, %dma_wait3A_125] : memref<16384x128xf32, #tpu.memory_space<hbm>> -> memref<128x128xf32, #tpu.memory_space<hbm>>
      %dma_wait3A_127 = arith.constant 0 : i32
      %dma_wait3A_128 = tpu.memref_slice %arg4[%add3A_64, %dma_wait3A_127] : memref<16384x128xf32, #tpu.memory_space<hbm>> -> memref<128x128xf32, #tpu.memory_space<hbm>>
      %dma_wait3A_129 = arith.constant 0 : i32
      %dma_wait3A_130 = arith.constant 0 : i32
      %dma_wait3A_131 = tpu.memref_slice %arg6[%run_scoped3A_65, %dma_wait3A_129, %dma_wait3A_130] : memref<2x128x128xf32, #tpu.memory_space<vmem>> -> memref<1x128x128xf32, #tpu.memory_space<vmem>>
      %dma_wait3A_132 = tpu.memref_squeeze %dma_wait3A_131 : memref<1x128x128xf32, #tpu.memory_space<vmem>> -> memref<128x128xf32, #tpu.memory_space<vmem>>
      tpu.wait_dma2 semaphore(%run_scoped3A_108 : memref<!tpu.dma_semaphore, #tpu.memory_space<semaphore_mem>>) src(%dma_wait3A_132 : memref<128x128xf32, #tpu.memory_space<vmem>>) dst(%dma_wait3A_128 : memref<128x128xf32, #tpu.memory_space<hbm>>)
      tpu.yield
    }) : () -> ()
    %dma_start3A_66 = arith.constant 3 : i32
    %dma_start3A_67 = arith.constant 1 : i32
    %dma_start3A_68 = arith.constant 0 : i32
    %dma_start3A_69 = arith.constant 0 : i32
    %dma_start3A_70 = tpu.memref_slice %arg6[%dma_start3A_67, %dma_start3A_68, %dma_start3A_69] : memref<2x128x128xf32, #tpu.memory_space<vmem>> -> memref<1x128x128xf32, #tpu.memory_space<vmem>>
    %dma_start3A_71 = tpu.memref_squeeze %dma_start3A_70 : memref<1x128x128xf32, #tpu.memory_space<vmem>> -> memref<128x128xf32, #tpu.memory_space<vmem>>
    %dma_start3A_72 = arith.constant 0 : i32
    %dma_start3A_73 = tpu.memref_slice %arg5[%dma_start3A_66, %dma_start3A_72] : memref<4x128xi32, #tpu.memory_space<vmem>> -> memref<1x128xi32, #tpu.memory_space<vmem>>
    %dma_start3A_74 = tpu.memref_squeeze %dma_start3A_73 : memref<1x128xi32, #tpu.memory_space<vmem>> -> memref<128xi32, #tpu.memory_space<vmem>>
    %dma_start3A_75 = arith.constant 0 : i32
    %dma_start3A_76 = arith.constant 0 : i32
    %dma_start3A_77 = tpu.memref_slice %arg3[%dma_start3A_75, %dma_start3A_76] : memref<50176x128xf32, #tpu.memory_space<hbm>> -> memref<50176x128xf32, #tpu.memory_space<hbm>>
    tpu.enqueue_indirect_dma source(%dma_start3A_77 : memref<50176x128xf32, #tpu.memory_space<hbm>>) target(%dma_start3A_71 : memref<128x128xf32, #tpu.memory_space<vmem>>) offsets(%dma_start3A_74 : memref<128xi32, #tpu.memory_space<vmem>>) semaphore(%arg7 : memref<!tpu.dma_semaphore, #tpu.memory_space<semaphore_mem>>)
    %dma_wait3A_78 = arith.constant 2 : i32
    %dma_wait3A_79 = arith.constant 0 : i32
    %dma_wait3A_80 = arith.constant 0 : i32
    %dma_wait3A_81 = arith.constant 0 : i32
    %dma_wait3A_82 = tpu.memref_slice %arg6[%dma_wait3A_79, %dma_wait3A_80, %dma_wait3A_81] : memref<2x128x128xf32, #tpu.memory_space<vmem>> -> memref<1x128x128xf32, #tpu.memory_space<vmem>>
    %dma_wait3A_83 = tpu.memref_squeeze %dma_wait3A_82 : memref<1x128x128xf32, #tpu.memory_space<vmem>> -> memref<128x128xf32, #tpu.memory_space<vmem>>
    %dma_wait3A_84 = arith.constant 0 : i32
    %dma_wait3A_85 = tpu.memref_slice %arg5[%dma_wait3A_78, %dma_wait3A_84] : memref<4x128xi32, #tpu.memory_space<vmem>> -> memref<1x128xi32, #tpu.memory_space<vmem>>
    %dma_wait3A_86 = tpu.memref_squeeze %dma_wait3A_85 : memref<1x128xi32, #tpu.memory_space<vmem>> -> memref<128xi32, #tpu.memory_space<vmem>>
    %dma_wait3A_87 = arith.constant 0 : i32
    %dma_wait3A_88 = arith.constant 0 : i32
    %dma_wait3A_89 = tpu.memref_slice %arg3[%dma_wait3A_87, %dma_wait3A_88] : memref<50176x128xf32, #tpu.memory_space<hbm>> -> memref<50176x128xf32, #tpu.memory_space<hbm>>
    tpu.wait_indirect_dma semaphore(%arg7 : memref<!tpu.dma_semaphore, #tpu.memory_space<semaphore_mem>>) src(%dma_wait3A_89 : memref<50176x128xf32, #tpu.memory_space<hbm>>) dst(%dma_wait3A_83 : memref<128x128xf32, #tpu.memory_space<vmem>>)
    %add3A_90 = arith.constant 256 : i32
    %add3A_91 = arith.addi %mul3A_2, %add3A_90 : i32
    %run_scoped3A_92 = arith.constant 0 : i32
    "tpu.region"() ({
      %run_scoped3A_108 = tpu.sem_alloc : memref<!tpu.dma_semaphore, #tpu.memory_space<semaphore_mem>>
      %dma_start3A_109 = arith.constant 0 : i32
      %dma_start3A_110 = arith.constant 0 : i32
      %dma_start3A_111 = tpu.memref_slice %arg6[%run_scoped3A_92, %dma_start3A_109, %dma_start3A_110] : memref<2x128x128xf32, #tpu.memory_space<vmem>> -> memref<1x128x128xf32, #tpu.memory_space<vmem>>
      %dma_start3A_112 = tpu.memref_squeeze %dma_start3A_111 : memref<1x128x128xf32, #tpu.memory_space<vmem>> -> memref<128x128xf32, #tpu.memory_space<vmem>>
      %dma_start3A_113 = arith.constant 0 : i32
      %dma_start3A_114 = tpu.memref_slice %arg4[%add3A_91, %dma_start3A_113] : memref<16384x128xf32, #tpu.memory_space<hbm>> -> memref<128x128xf32, #tpu.memory_space<hbm>>
      %dma_start3A_115 = arith.constant 0 : i32
      %dma_start3A_116 = tpu.memref_slice %arg4[%add3A_91, %dma_start3A_115] : memref<16384x128xf32, #tpu.memory_space<hbm>> -> memref<128x128xf32, #tpu.memory_space<hbm>>
      %dma_start3A_117 = arith.constant 0 : i32
      %dma_start3A_118 = arith.constant 0 : i32
      %dma_start3A_119 = tpu.memref_slice %arg6[%run_scoped3A_92, %dma_start3A_117, %dma_start3A_118] : memref<2x128x128xf32, #tpu.memory_space<vmem>> -> memref<1x128x128xf32, #tpu.memory_space<vmem>>
      %dma_start3A_120 = tpu.memref_squeeze %dma_start3A_119 : memref<1x128x128xf32, #tpu.memory_space<vmem>> -> memref<128x128xf32, #tpu.memory_space<vmem>>
      tpu.enqueue_dma source(%dma_start3A_120 : memref<128x128xf32, #tpu.memory_space<vmem>>) target(%dma_start3A_116 : memref<128x128xf32, #tpu.memory_space<hbm>>) target_semaphore(%run_scoped3A_108 : memref<!tpu.dma_semaphore, #tpu.memory_space<semaphore_mem>>)
      %dma_wait3A_121 = arith.constant 0 : i32
      %dma_wait3A_122 = arith.constant 0 : i32
      %dma_wait3A_123 = tpu.memref_slice %arg6[%run_scoped3A_92, %dma_wait3A_121, %dma_wait3A_122] : memref<2x128x128xf32, #tpu.memory_space<vmem>> -> memref<1x128x128xf32, #tpu.memory_space<vmem>>
      %dma_wait3A_124 = tpu.memref_squeeze %dma_wait3A_123 : memref<1x128x128xf32, #tpu.memory_space<vmem>> -> memref<128x128xf32, #tpu.memory_space<vmem>>
      %dma_wait3A_125 = arith.constant 0 : i32
      %dma_wait3A_126 = tpu.memref_slice %arg4[%add3A_91, %dma_wait3A_125] : memref<16384x128xf32, #tpu.memory_space<hbm>> -> memref<128x128xf32, #tpu.memory_space<hbm>>
      %dma_wait3A_127 = arith.constant 0 : i32
      %dma_wait3A_128 = tpu.memref_slice %arg4[%add3A_91, %dma_wait3A_127] : memref<16384x128xf32, #tpu.memory_space<hbm>> -> memref<128x128xf32, #tpu.memory_space<hbm>>
      %dma_wait3A_129 = arith.constant 0 : i32
      %dma_wait3A_130 = arith.constant 0 : i32
      %dma_wait3A_131 = tpu.memref_slice %arg6[%run_scoped3A_92, %dma_wait3A_129, %dma_wait3A_130] : memref<2x128x128xf32, #tpu.memory_space<vmem>> -> memref<1x128x128xf32, #tpu.memory_space<vmem>>
      %dma_wait3A_132 = tpu.memref_squeeze %dma_wait3A_131 : memref<1x128x128xf32, #tpu.memory_space<vmem>> -> memref<128x128xf32, #tpu.memory_space<vmem>>
      tpu.wait_dma2 semaphore(%run_scoped3A_108 : memref<!tpu.dma_semaphore, #tpu.memory_space<semaphore_mem>>) src(%dma_wait3A_132 : memref<128x128xf32, #tpu.memory_space<vmem>>) dst(%dma_wait3A_128 : memref<128x128xf32, #tpu.memory_space<hbm>>)
      tpu.yield
    }) : () -> ()
    %dma_wait3A_93 = arith.constant 3 : i32
    %dma_wait3A_94 = arith.constant 1 : i32
    %dma_wait3A_95 = arith.constant 0 : i32
    %dma_wait3A_96 = arith.constant 0 : i32
    %dma_wait3A_97 = tpu.memref_slice %arg6[%dma_wait3A_94, %dma_wait3A_95, %dma_wait3A_96] : memref<2x128x128xf32, #tpu.memory_space<vmem>> -> memref<1x128x128xf32, #tpu.memory_space<vmem>>
    %dma_wait3A_98 = tpu.memref_squeeze %dma_wait3A_97 : memref<1x128x128xf32, #tpu.memory_space<vmem>> -> memref<128x128xf32, #tpu.memory_space<vmem>>
    %dma_wait3A_99 = arith.constant 0 : i32
    %dma_wait3A_100 = tpu.memref_slice %arg5[%dma_wait3A_93, %dma_wait3A_99] : memref<4x128xi32, #tpu.memory_space<vmem>> -> memref<1x128xi32, #tpu.memory_space<vmem>>
    %dma_wait3A_101 = tpu.memref_squeeze %dma_wait3A_100 : memref<1x128xi32, #tpu.memory_space<vmem>> -> memref<128xi32, #tpu.memory_space<vmem>>
    %dma_wait3A_102 = arith.constant 0 : i32
    %dma_wait3A_103 = arith.constant 0 : i32
    %dma_wait3A_104 = tpu.memref_slice %arg3[%dma_wait3A_102, %dma_wait3A_103] : memref<50176x128xf32, #tpu.memory_space<hbm>> -> memref<50176x128xf32, #tpu.memory_space<hbm>>
    tpu.wait_indirect_dma semaphore(%arg7 : memref<!tpu.dma_semaphore, #tpu.memory_space<semaphore_mem>>) src(%dma_wait3A_104 : memref<50176x128xf32, #tpu.memory_space<hbm>>) dst(%dma_wait3A_98 : memref<128x128xf32, #tpu.memory_space<vmem>>)
    %add3A_105 = arith.constant 384 : i32
    %add3A_106 = arith.addi %mul3A_2, %add3A_105 : i32
    %run_scoped3A_107 = arith.constant 1 : i32
    "tpu.region"() ({
      %run_scoped3A_108 = tpu.sem_alloc : memref<!tpu.dma_semaphore, #tpu.memory_space<semaphore_mem>>
      %dma_start3A_109 = arith.constant 0 : i32
      %dma_start3A_110 = arith.constant 0 : i32
      %dma_start3A_111 = tpu.memref_slice %arg6[%run_scoped3A_107, %dma_start3A_109, %dma_start3A_110] : memref<2x128x128xf32, #tpu.memory_space<vmem>> -> memref<1x128x128xf32, #tpu.memory_space<vmem>>
      %dma_start3A_112 = tpu.memref_squeeze %dma_start3A_111 : memref<1x128x128xf32, #tpu.memory_space<vmem>> -> memref<128x128xf32, #tpu.memory_space<vmem>>
      %dma_start3A_113 = arith.constant 0 : i32
      %dma_start3A_114 = tpu.memref_slice %arg4[%add3A_106, %dma_start3A_113] : memref<16384x128xf32, #tpu.memory_space<hbm>> -> memref<128x128xf32, #tpu.memory_space<hbm>>
      %dma_start3A_115 = arith.constant 0 : i32
      %dma_start3A_116 = tpu.memref_slice %arg4[%add3A_106, %dma_start3A_115] : memref<16384x128xf32, #tpu.memory_space<hbm>> -> memref<128x128xf32, #tpu.memory_space<hbm>>
      %dma_start3A_117 = arith.constant 0 : i32
      %dma_start3A_118 = arith.constant 0 : i32
      %dma_start3A_119 = tpu.memref_slice %arg6[%run_scoped3A_107, %dma_start3A_117, %dma_start3A_118] : memref<2x128x128xf32, #tpu.memory_space<vmem>> -> memref<1x128x128xf32, #tpu.memory_space<vmem>>
      %dma_start3A_120 = tpu.memref_squeeze %dma_start3A_119 : memref<1x128x128xf32, #tpu.memory_space<vmem>> -> memref<128x128xf32, #tpu.memory_space<vmem>>
      tpu.enqueue_dma source(%dma_start3A_120 : memref<128x128xf32, #tpu.memory_space<vmem>>) target(%dma_start3A_116 : memref<128x128xf32, #tpu.memory_space<hbm>>) target_semaphore(%run_scoped3A_108 : memref<!tpu.dma_semaphore, #tpu.memory_space<semaphore_mem>>)
      %dma_wait3A_121 = arith.constant 0 : i32
      %dma_wait3A_122 = arith.constant 0 : i32
      %dma_wait3A_123 = tpu.memref_slice %arg6[%run_scoped3A_107, %dma_wait3A_121, %dma_wait3A_122] : memref<2x128x128xf32, #tpu.memory_space<vmem>> -> memref<1x128x128xf32, #tpu.memory_space<vmem>>
      %dma_wait3A_124 = tpu.memref_squeeze %dma_wait3A_123 : memref<1x128x128xf32, #tpu.memory_space<vmem>> -> memref<128x128xf32, #tpu.memory_space<vmem>>
      %dma_wait3A_125 = arith.constant 0 : i32
      %dma_wait3A_126 = tpu.memref_slice %arg4[%add3A_106, %dma_wait3A_125] : memref<16384x128xf32, #tpu.memory_space<hbm>> -> memref<128x128xf32, #tpu.memory_space<hbm>>
      %dma_wait3A_127 = arith.constant 0 : i32
      %dma_wait3A_128 = tpu.memref_slice %arg4[%add3A_106, %dma_wait3A_127] : memref<16384x128xf32, #tpu.memory_space<hbm>> -> memref<128x128xf32, #tpu.memory_space<hbm>>
      %dma_wait3A_129 = arith.constant 0 : i32
      %dma_wait3A_130 = arith.constant 0 : i32
      %dma_wait3A_131 = tpu.memref_slice %arg6[%run_scoped3A_107, %dma_wait3A_129, %dma_wait3A_130] : memref<2x128x128xf32, #tpu.memory_space<vmem>> -> memref<1x128x128xf32, #tpu.memory_space<vmem>>
      %dma_wait3A_132 = tpu.memref_squeeze %dma_wait3A_131 : memref<1x128x128xf32, #tpu.memory_space<vmem>> -> memref<128x128xf32, #tpu.memory_space<vmem>>
      tpu.wait_dma2 semaphore(%run_scoped3A_108 : memref<!tpu.dma_semaphore, #tpu.memory_space<semaphore_mem>>) src(%dma_wait3A_132 : memref<128x128xf32, #tpu.memory_space<vmem>>) dst(%dma_wait3A_128 : memref<128x128xf32, #tpu.memory_space<hbm>>)
      tpu.yield
    }) : () -> ()
    return
  }
}

#map = affine_map<(d0, d1) -> (0, 0, 0)>
#map1 = affine_map<(d0, d1) -> (0, 0)>
module attributes {stable_mosaic.version = 14 : i64} {
  func.func @gather_kernel(%arg0: i32, %arg1: i32, %arg2: memref<32x4x128xi32, #tpu.memory_space<hbm>>, %arg3: memref<50176x128xf32, #tpu.memory_space<hbm>>, %arg4: memref<16384x128xf32, #tpu.memory_space<hbm>>, %arg5: memref<4x128xi32, #tpu.memory_space<vmem>>, %arg6: memref<2x128x128xf32, #tpu.memory_space<vmem>>, %arg7: memref<!tpu.dma_semaphore, #tpu.memory_space<semaphore_mem>>) attributes {dimension_semantics = [#tpu.dimension_semantics<core_parallel>, #tpu.dimension_semantics<subcore_parallel>], iteration_bounds = array<i64: 2, 16>, scalar_prefetch = 0 : i64, scratch_operands = 3 : i64, tpu.core_type = #tpu.core_type<sc_vector_subcore>, window_params = [{transform_indices = #map}, {transform_indices = #map1}, {transform_indices = #map1}]} {
    %mul3A = arith.constant 2 : i32
    %mul3A_0 = arith.muli %arg1, %mul3A : i32
    %add3A = arith.addi %mul3A_0, %arg0 : i32
    %mul3A_1 = arith.constant 512 : i32
    %mul3A_2 = arith.muli %add3A, %mul3A_1 : i32
    "tpu.region"() ({
      %run_scoped3A_108 = tpu.sem_alloc : memref<!tpu.dma_semaphore, #tpu.memory_space<semaphore_mem>>
      %dma_start3A_109 = arith.constant 0 : i32
      %dma_start3A_110 = arith.constant 0 : i32
      %dma_start3A_111 = tpu.memref_slice %arg2[%add3A, %dma_start3A_109, %dma_start3A_110] : memref<32x4x128xi32, #tpu.memory_space<hbm>> -> memref<1x4x128xi32, #tpu.memory_space<hbm>>
      %dma_start3A_112 = tpu.memref_squeeze %dma_start3A_111 : memref<1x4x128xi32, #tpu.memory_space<hbm>> -> memref<4x128xi32, #tpu.memory_space<hbm>>
      %dma_start3A_113 = arith.constant 0 : i32
      %dma_start3A_114 = arith.constant 0 : i32
      %dma_start3A_115 = tpu.memref_slice %arg2[%add3A, %dma_start3A_113, %dma_start3A_114] : memref<32x4x128xi32, #tpu.memory_space<hbm>> -> memref<1x4x128xi32, #tpu.memory_space<hbm>>
      %dma_start3A_116 = tpu.memref_squeeze %dma_start3A_115 : memref<1x4x128xi32, #tpu.memory_space<hbm>> -> memref<4x128xi32, #tpu.memory_space<hbm>>
      tpu.enqueue_dma source(%dma_start3A_116 : memref<4x128xi32, #tpu.memory_space<hbm>>) target(%arg5 : memref<4x128xi32, #tpu.memory_space<vmem>>) target_semaphore(%run_scoped3A_108 : memref<!tpu.dma_semaphore, #tpu.memory_space<semaphore_mem>>)
      %dma_wait3A_117 = arith.constant 0 : i32
      %dma_wait3A_118 = arith.constant 0 : i32
      %dma_wait3A_119 = tpu.memref_slice %arg2[%add3A, %dma_wait3A_117, %dma_wait3A_118] : memref<32x4x128xi32, #tpu.memory_space<hbm>> -> memref<1x4x128xi32, #tpu.memory_space<hbm>>
      %dma_wait3A_120 = tpu.memref_squeeze %dma_wait3A_119 : memref<1x4x128xi32, #tpu.memory_space<hbm>> -> memref<4x128xi32, #tpu.memory_space<hbm>>
      %dma_wait3A_121 = arith.constant 0 : i32
      %dma_wait3A_122 = arith.constant 0 : i32
      %dma_wait3A_123 = tpu.memref_slice %arg2[%add3A, %dma_wait3A_121, %dma_wait3A_122] : memref<32x4x128xi32, #tpu.memory_space<hbm>> -> memref<1x4x128xi32, #tpu.memory_space<hbm>>
      %dma_wait3A_124 = tpu.memref_squeeze %dma_wait3A_123 : memref<1x4x128xi32, #tpu.memory_space<hbm>> -> memref<4x128xi32, #tpu.memory_space<hbm>>
      tpu.wait_dma2 semaphore(%run_scoped3A_108 : memref<!tpu.dma_semaphore, #tpu.memory_space<semaphore_mem>>) src(%dma_wait3A_124 : memref<4x128xi32, #tpu.memory_space<hbm>>) dst(%arg5 : memref<4x128xi32, #tpu.memory_space<vmem>>)
      tpu.yield
    }) : () -> ()
    %dma_start3A = arith.constant 0 : i32
    %dma_start3A_3 = arith.constant 0 : i32
    %dma_start3A_4 = arith.constant 0 : i32
    %dma_start3A_5 = arith.constant 0 : i32
    %dma_start3A_6 = tpu.memref_slice %arg6[%dma_start3A_3, %dma_start3A_4, %dma_start3A_5] : memref<2x128x128xf32, #tpu.memory_space<vmem>> -> memref<1x128x128xf32, #tpu.memory_space<vmem>>
    %dma_start3A_7 = tpu.memref_squeeze %dma_start3A_6 : memref<1x128x128xf32, #tpu.memory_space<vmem>> -> memref<128x128xf32, #tpu.memory_space<vmem>>
    %dma_start3A_8 = arith.constant 0 : i32
    %dma_start3A_9 = tpu.memref_slice %arg5[%dma_start3A, %dma_start3A_8] : memref<4x128xi32, #tpu.memory_space<vmem>> -> memref<1x128xi32, #tpu.memory_space<vmem>>
    %dma_start3A_10 = tpu.memref_squeeze %dma_start3A_9 : memref<1x128xi32, #tpu.memory_space<vmem>> -> memref<128xi32, #tpu.memory_space<vmem>>
    %dma_start3A_11 = arith.constant 0 : i32
    %dma_start3A_12 = arith.constant 0 : i32
    %dma_start3A_13 = tpu.memref_slice %arg3[%dma_start3A_11, %dma_start3A_12] : memref<50176x128xf32, #tpu.memory_space<hbm>> -> memref<50176x128xf32, #tpu.memory_space<hbm>>
    tpu.enqueue_indirect_dma source(%dma_start3A_13 : memref<50176x128xf32, #tpu.memory_space<hbm>>) target(%dma_start3A_7 : memref<128x128xf32, #tpu.memory_space<vmem>>) offsets(%dma_start3A_10 : memref<128xi32, #tpu.memory_space<vmem>>) semaphore(%arg7 : memref<!tpu.dma_semaphore, #tpu.memory_space<semaphore_mem>>)
    %dma_start3A_14 = arith.constant 1 : i32
    %dma_start3A_15 = arith.constant 1 : i32
    %dma_start3A_16 = arith.constant 0 : i32
    %dma_start3A_17 = arith.constant 0 : i32
    %dma_start3A_18 = tpu.memref_slice %arg6[%dma_start3A_15, %dma_start3A_16, %dma_start3A_17] : memref<2x128x128xf32, #tpu.memory_space<vmem>> -> memref<1x128x128xf32, #tpu.memory_space<vmem>>
    %dma_start3A_19 = tpu.memref_squeeze %dma_start3A_18 : memref<1x128x128xf32, #tpu.memory_space<vmem>> -> memref<128x128xf32, #tpu.memory_space<vmem>>
    %dma_start3A_20 = arith.constant 0 : i32
    %dma_start3A_21 = tpu.memref_slice %arg5[%dma_start3A_14, %dma_start3A_20] : memref<4x128xi32, #tpu.memory_space<vmem>> -> memref<1x128xi32, #tpu.memory_space<vmem>>
    %dma_start3A_22 = tpu.memref_squeeze %dma_start3A_21 : memref<1x128xi32, #tpu.memory_space<vmem>> -> memref<128xi32, #tpu.memory_space<vmem>>
    %dma_start3A_23 = arith.constant 0 : i32
    %dma_start3A_24 = arith.constant 0 : i32
    %dma_start3A_25 = tpu.memref_slice %arg3[%dma_start3A_23, %dma_start3A_24] : memref<50176x128xf32, #tpu.memory_space<hbm>> -> memref<50176x128xf32, #tpu.memory_space<hbm>>
    tpu.enqueue_indirect_dma source(%dma_start3A_25 : memref<50176x128xf32, #tpu.memory_space<hbm>>) target(%dma_start3A_19 : memref<128x128xf32, #tpu.memory_space<vmem>>) offsets(%dma_start3A_22 : memref<128xi32, #tpu.memory_space<vmem>>) semaphore(%arg7 : memref<!tpu.dma_semaphore, #tpu.memory_space<semaphore_mem>>)
    %dma_wait3A = arith.constant 0 : i32
    %dma_wait3A_26 = arith.constant 0 : i32
    %dma_wait3A_27 = arith.constant 0 : i32
    %dma_wait3A_28 = arith.constant 0 : i32
    %dma_wait3A_29 = tpu.memref_slice %arg6[%dma_wait3A_26, %dma_wait3A_27, %dma_wait3A_28] : memref<2x128x128xf32, #tpu.memory_space<vmem>> -> memref<1x128x128xf32, #tpu.memory_space<vmem>>
    %dma_wait3A_30 = tpu.memref_squeeze %dma_wait3A_29 : memref<1x128x128xf32, #tpu.memory_space<vmem>> -> memref<128x128xf32, #tpu.memory_space<vmem>>
    %dma_wait3A_31 = arith.constant 0 : i32
    %dma_wait3A_32 = tpu.memref_slice %arg5[%dma_wait3A, %dma_wait3A_31] : memref<4x128xi32, #tpu.memory_space<vmem>> -> memref<1x128xi32, #tpu.memory_space<vmem>>
    %dma_wait3A_33 = tpu.memref_squeeze %dma_wait3A_32 : memref<1x128xi32, #tpu.memory_space<vmem>> -> memref<128xi32, #tpu.memory_space<vmem>>
    %dma_wait3A_34 = arith.constant 0 : i32
    %dma_wait3A_35 = arith.constant 0 : i32
    %dma_wait3A_36 = tpu.memref_slice %arg3[%dma_wait3A_34, %dma_wait3A_35] : memref<50176x128xf32, #tpu.memory_space<hbm>> -> memref<50176x128xf32, #tpu.memory_space<hbm>>
    tpu.wait_indirect_dma semaphore(%arg7 : memref<!tpu.dma_semaphore, #tpu.memory_space<semaphore_mem>>) src(%dma_wait3A_36 : memref<50176x128xf32, #tpu.memory_space<hbm>>) dst(%dma_wait3A_30 : memref<128x128xf32, #tpu.memory_space<vmem>>)
    %add3A_37 = arith.constant 0 : i32
    %add3A_38 = arith.addi %mul3A_2, %add3A_37 : i32
    %run_scoped3A = arith.constant 0 : i32
    "tpu.region"() ({
      %run_scoped3A_108 = tpu.sem_alloc : memref<!tpu.dma_semaphore, #tpu.memory_space<semaphore_mem>>
      %dma_start3A_109 = arith.constant 0 : i32
      %dma_start3A_110 = arith.constant 0 : i32
      %dma_start3A_111 = tpu.memref_slice %arg6[%run_scoped3A, %dma_start3A_109, %dma_start3A_110] : memref<2x128x128xf32, #tpu.memory_space<vmem>> -> memref<1x128x128xf32, #tpu.memory_space<vmem>>
      %dma_start3A_112 = tpu.memref_squeeze %dma_start3A_111 : memref<1x128x128xf32, #tpu.memory_space<vmem>> -> memref<128x128xf32, #tpu.memory_space<vmem>>
      %dma_start3A_113 = arith.constant 0 : i32
      %dma_start3A_114 = tpu.memref_slice %arg4[%add3A_38, %dma_start3A_113] : memref<16384x128xf32, #tpu.memory_space<hbm>> -> memref<128x128xf32, #tpu.memory_space<hbm>>
      %dma_start3A_115 = arith.constant 0 : i32
      %dma_start3A_116 = tpu.memref_slice %arg4[%add3A_38, %dma_start3A_115] : memref<16384x128xf32, #tpu.memory_space<hbm>> -> memref<128x128xf32, #tpu.memory_space<hbm>>
      %dma_start3A_117 = arith.constant 0 : i32
      %dma_start3A_118 = arith.constant 0 : i32
      %dma_start3A_119 = tpu.memref_slice %arg6[%run_scoped3A, %dma_start3A_117, %dma_start3A_118] : memref<2x128x128xf32, #tpu.memory_space<vmem>> -> memref<1x128x128xf32, #tpu.memory_space<vmem>>
      %dma_start3A_120 = tpu.memref_squeeze %dma_start3A_119 : memref<1x128x128xf32, #tpu.memory_space<vmem>> -> memref<128x128xf32, #tpu.memory_space<vmem>>
      tpu.enqueue_dma source(%dma_start3A_120 : memref<128x128xf32, #tpu.memory_space<vmem>>) target(%dma_start3A_116 : memref<128x128xf32, #tpu.memory_space<hbm>>) target_semaphore(%run_scoped3A_108 : memref<!tpu.dma_semaphore, #tpu.memory_space<semaphore_mem>>)
      %dma_wait3A_121 = arith.constant 0 : i32
      %dma_wait3A_122 = arith.constant 0 : i32
      %dma_wait3A_123 = tpu.memref_slice %arg6[%run_scoped3A, %dma_wait3A_121, %dma_wait3A_122] : memref<2x128x128xf32, #tpu.memory_space<vmem>> -> memref<1x128x128xf32, #tpu.memory_space<vmem>>
      %dma_wait3A_124 = tpu.memref_squeeze %dma_wait3A_123 : memref<1x128x128xf32, #tpu.memory_space<vmem>> -> memref<128x128xf32, #tpu.memory_space<vmem>>
      %dma_wait3A_125 = arith.constant 0 : i32
      %dma_wait3A_126 = tpu.memref_slice %arg4[%add3A_38, %dma_wait3A_125] : memref<16384x128xf32, #tpu.memory_space<hbm>> -> memref<128x128xf32, #tpu.memory_space<hbm>>
      %dma_wait3A_127 = arith.constant 0 : i32
      %dma_wait3A_128 = tpu.memref_slice %arg4[%add3A_38, %dma_wait3A_127] : memref<16384x128xf32, #tpu.memory_space<hbm>> -> memref<128x128xf32, #tpu.memory_space<hbm>>
      %dma_wait3A_129 = arith.constant 0 : i32
      %dma_wait3A_130 = arith.constant 0 : i32
      %dma_wait3A_131 = tpu.memref_slice %arg6[%run_scoped3A, %dma_wait3A_129, %dma_wait3A_130] : memref<2x128x128xf32, #tpu.memory_space<vmem>> -> memref<1x128x128xf32, #tpu.memory_space<vmem>>
      %dma_wait3A_132 = tpu.memref_squeeze %dma_wait3A_131 : memref<1x128x128xf32, #tpu.memory_space<vmem>> -> memref<128x128xf32, #tpu.memory_space<vmem>>
      tpu.wait_dma2 semaphore(%run_scoped3A_108 : memref<!tpu.dma_semaphore, #tpu.memory_space<semaphore_mem>>) src(%dma_wait3A_132 : memref<128x128xf32, #tpu.memory_space<vmem>>) dst(%dma_wait3A_128 : memref<128x128xf32, #tpu.memory_space<hbm>>)
      tpu.yield
    }) : () -> ()
    %dma_start3A_39 = arith.constant 2 : i32
    %dma_start3A_40 = arith.constant 0 : i32
    %dma_start3A_41 = arith.constant 0 : i32
    %dma_start3A_42 = arith.constant 0 : i32
    %dma_start3A_43 = tpu.memref_slice %arg6[%dma_start3A_40, %dma_start3A_41, %dma_start3A_42] : memref<2x128x128xf32, #tpu.memory_space<vmem>> -> memref<1x128x128xf32, #tpu.memory_space<vmem>>
    %dma_start3A_44 = tpu.memref_squeeze %dma_start3A_43 : memref<1x128x128xf32, #tpu.memory_space<vmem>> -> memref<128x128xf32, #tpu.memory_space<vmem>>
    %dma_start3A_45 = arith.constant 0 : i32
    %dma_start3A_46 = tpu.memref_slice %arg5[%dma_start3A_39, %dma_start3A_45] : memref<4x128xi32, #tpu.memory_space<vmem>> -> memref<1x128xi32, #tpu.memory_space<vmem>>
    %dma_start3A_47 = tpu.memref_squeeze %dma_start3A_46 : memref<1x128xi32, #tpu.memory_space<vmem>> -> memref<128xi32, #tpu.memory_space<vmem>>
    %dma_start3A_48 = arith.constant 0 : i32
    %dma_start3A_49 = arith.constant 0 : i32
    %dma_start3A_50 = tpu.memref_slice %arg3[%dma_start3A_48, %dma_start3A_49] : memref<50176x128xf32, #tpu.memory_space<hbm>> -> memref<50176x128xf32, #tpu.memory_space<hbm>>
    tpu.enqueue_indirect_dma source(%dma_start3A_50 : memref<50176x128xf32, #tpu.memory_space<hbm>>) target(%dma_start3A_44 : memref<128x128xf32, #tpu.memory_space<vmem>>) offsets(%dma_start3A_47 : memref<128xi32, #tpu.memory_space<vmem>>) semaphore(%arg7 : memref<!tpu.dma_semaphore, #tpu.memory_space<semaphore_mem>>)
    %dma_wait3A_51 = arith.constant 1 : i32
    %dma_wait3A_52 = arith.constant 1 : i32
    %dma_wait3A_53 = arith.constant 0 : i32
    %dma_wait3A_54 = arith.constant 0 : i32
    %dma_wait3A_55 = tpu.memref_slice %arg6[%dma_wait3A_52, %dma_wait3A_53, %dma_wait3A_54] : memref<2x128x128xf32, #tpu.memory_space<vmem>> -> memref<1x128x128xf32, #tpu.memory_space<vmem>>
    %dma_wait3A_56 = tpu.memref_squeeze %dma_wait3A_55 : memref<1x128x128xf32, #tpu.memory_space<vmem>> -> memref<128x128xf32, #tpu.memory_space<vmem>>
    %dma_wait3A_57 = arith.constant 0 : i32
    %dma_wait3A_58 = tpu.memref_slice %arg5[%dma_wait3A_51, %dma_wait3A_57] : memref<4x128xi32, #tpu.memory_space<vmem>> -> memref<1x128xi32, #tpu.memory_space<vmem>>
    %dma_wait3A_59 = tpu.memref_squeeze %dma_wait3A_58 : memref<1x128xi32, #tpu.memory_space<vmem>> -> memref<128xi32, #tpu.memory_space<vmem>>
    %dma_wait3A_60 = arith.constant 0 : i32
    %dma_wait3A_61 = arith.constant 0 : i32
    %dma_wait3A_62 = tpu.memref_slice %arg3[%dma_wait3A_60, %dma_wait3A_61] : memref<50176x128xf32, #tpu.memory_space<hbm>> -> memref<50176x128xf32, #tpu.memory_space<hbm>>
    tpu.wait_indirect_dma semaphore(%arg7 : memref<!tpu.dma_semaphore, #tpu.memory_space<semaphore_mem>>) src(%dma_wait3A_62 : memref<50176x128xf32, #tpu.memory_space<hbm>>) dst(%dma_wait3A_56 : memref<128x128xf32, #tpu.memory_space<vmem>>)
    %add3A_63 = arith.constant 128 : i32
    %add3A_64 = arith.addi %mul3A_2, %add3A_63 : i32
    %run_scoped3A_65 = arith.constant 1 : i32
    "tpu.region"() ({
      %run_scoped3A_108 = tpu.sem_alloc : memref<!tpu.dma_semaphore, #tpu.memory_space<semaphore_mem>>
      %dma_start3A_109 = arith.constant 0 : i32
      %dma_start3A_110 = arith.constant 0 : i32
      %dma_start3A_111 = tpu.memref_slice %arg6[%run_scoped3A_65, %dma_start3A_109, %dma_start3A_110] : memref<2x128x128xf32, #tpu.memory_space<vmem>> -> memref<1x128x128xf32, #tpu.memory_space<vmem>>
      %dma_start3A_112 = tpu.memref_squeeze %dma_start3A_111 : memref<1x128x128xf32, #tpu.memory_space<vmem>> -> memref<128x128xf32, #tpu.memory_space<vmem>>
      %dma_start3A_113 = arith.constant 0 : i32
      %dma_start3A_114 = tpu.memref_slice %arg4[%add3A_64, %dma_start3A_113] : memref<16384x128xf32, #tpu.memory_space<hbm>> -> memref<128x128xf32, #tpu.memory_space<hbm>>
      %dma_start3A_115 = arith.constant 0 : i32
      %dma_start3A_116 = tpu.memref_slice %arg4[%add3A_64, %dma_start3A_115] : memref<16384x128xf32, #tpu.memory_space<hbm>> -> memref<128x128xf32, #tpu.memory_space<hbm>>
      %dma_start3A_117 = arith.constant 0 : i32
      %dma_start3A_118 = arith.constant 0 : i32
      %dma_start3A_119 = tpu.memref_slice %arg6[%run_scoped3A_65, %dma_start3A_117, %dma_start3A_118] : memref<2x128x128xf32, #tpu.memory_space<vmem>> -> memref<1x128x128xf32, #tpu.memory_space<vmem>>
      %dma_start3A_120 = tpu.memref_squeeze %dma_start3A_119 : memref<1x128x128xf32, #tpu.memory_space<vmem>> -> memref<128x128xf32, #tpu.memory_space<vmem>>
      tpu.enqueue_dma source(%dma_start3A_120 : memref<128x128xf32, #tpu.memory_space<vmem>>) target(%dma_start3A_116 : memref<128x128xf32, #tpu.memory_space<hbm>>) target_semaphore(%run_scoped3A_108 : memref<!tpu.dma_semaphore, #tpu.memory_space<semaphore_mem>>)
      %dma_wait3A_121 = arith.constant 0 : i32
      %dma_wait3A_122 = arith.constant 0 : i32
      %dma_wait3A_123 = tpu.memref_slice %arg6[%run_scoped3A_65, %dma_wait3A_121, %dma_wait3A_122] : memref<2x128x128xf32, #tpu.memory_space<vmem>> -> memref<1x128x128xf32, #tpu.memory_space<vmem>>
      %dma_wait3A_124 = tpu.memref_squeeze %dma_wait3A_123 : memref<1x128x128xf32, #tpu.memory_space<vmem>> -> memref<128x128xf32, #tpu.memory_space<vmem>>
      %dma_wait3A_125 = arith.constant 0 : i32
      %dma_wait3A_126 = tpu.memref_slice %arg4[%add3A_64, %dma_wait3A_125] : memref<16384x128xf32, #tpu.memory_space<hbm>> -> memref<128x128xf32, #tpu.memory_space<hbm>>
      %dma_wait3A_127 = arith.constant 0 : i32
      %dma_wait3A_128 = tpu.memref_slice %arg4[%add3A_64, %dma_wait3A_127] : memref<16384x128xf32, #tpu.memory_space<hbm>> -> memref<128x128xf32, #tpu.memory_space<hbm>>
      %dma_wait3A_129 = arith.constant 0 : i32
      %dma_wait3A_130 = arith.constant 0 : i32
      %dma_wait3A_131 = tpu.memref_slice %arg6[%run_scoped3A_65, %dma_wait3A_129, %dma_wait3A_130] : memref<2x128x128xf32, #tpu.memory_space<vmem>> -> memref<1x128x128xf32, #tpu.memory_space<vmem>>
      %dma_wait3A_132 = tpu.memref_squeeze %dma_wait3A_131 : memref<1x128x128xf32, #tpu.memory_space<vmem>> -> memref<128x128xf32, #tpu.memory_space<vmem>>
      tpu.wait_dma2 semaphore(%run_scoped3A_108 : memref<!tpu.dma_semaphore, #tpu.memory_space<semaphore_mem>>) src(%dma_wait3A_132 : memref<128x128xf32, #tpu.memory_space<vmem>>) dst(%dma_wait3A_128 : memref<128x128xf32, #tpu.memory_space<hbm>>)
      tpu.yield
    }) : () -> ()
    %dma_start3A_66 = arith.constant 3 : i32
    %dma_start3A_67 = arith.constant 1 : i32
    %dma_start3A_68 = arith.constant 0 : i32
    %dma_start3A_69 = arith.constant 0 : i32
    %dma_start3A_70 = tpu.memref_slice %arg6[%dma_start3A_67, %dma_start3A_68, %dma_start3A_69] : memref<2x128x128xf32, #tpu.memory_space<vmem>> -> memref<1x128x128xf32, #tpu.memory_space<vmem>>
    %dma_start3A_71 = tpu.memref_squeeze %dma_start3A_70 : memref<1x128x128xf32, #tpu.memory_space<vmem>> -> memref<128x128xf32, #tpu.memory_space<vmem>>
    %dma_start3A_72 = arith.constant 0 : i32
    %dma_start3A_73 = tpu.memref_slice %arg5[%dma_start3A_66, %dma_start3A_72] : memref<4x128xi32, #tpu.memory_space<vmem>> -> memref<1x128xi32, #tpu.memory_space<vmem>>
    %dma_start3A_74 = tpu.memref_squeeze %dma_start3A_73 : memref<1x128xi32, #tpu.memory_space<vmem>> -> memref<128xi32, #tpu.memory_space<vmem>>
    %dma_start3A_75 = arith.constant 0 : i32
    %dma_start3A_76 = arith.constant 0 : i32
    %dma_start3A_77 = tpu.memref_slice %arg3[%dma_start3A_75, %dma_start3A_76] : memref<50176x128xf32, #tpu.memory_space<hbm>> -> memref<50176x128xf32, #tpu.memory_space<hbm>>
    tpu.enqueue_indirect_dma source(%dma_start3A_77 : memref<50176x128xf32, #tpu.memory_space<hbm>>) target(%dma_start3A_71 : memref<128x128xf32, #tpu.memory_space<vmem>>) offsets(%dma_start3A_74 : memref<128xi32, #tpu.memory_space<vmem>>) semaphore(%arg7 : memref<!tpu.dma_semaphore, #tpu.memory_space<semaphore_mem>>)
    %dma_wait3A_78 = arith.constant 2 : i32
    %dma_wait3A_79 = arith.constant 0 : i32
    %dma_wait3A_80 = arith.constant 0 : i32
    %dma_wait3A_81 = arith.constant 0 : i32
    %dma_wait3A_82 = tpu.memref_slice %arg6[%dma_wait3A_79, %dma_wait3A_80, %dma_wait3A_81] : memref<2x128x128xf32, #tpu.memory_space<vmem>> -> memref<1x128x128xf32, #tpu.memory_space<vmem>>
    %dma_wait3A_83 = tpu.memref_squeeze %dma_wait3A_82 : memref<1x128x128xf32, #tpu.memory_space<vmem>> -> memref<128x128xf32, #tpu.memory_space<vmem>>
    %dma_wait3A_84 = arith.constant 0 : i32
    %dma_wait3A_85 = tpu.memref_slice %arg5[%dma_wait3A_78, %dma_wait3A_84] : memref<4x128xi32, #tpu.memory_space<vmem>> -> memref<1x128xi32, #tpu.memory_space<vmem>>
    %dma_wait3A_86 = tpu.memref_squeeze %dma_wait3A_85 : memref<1x128xi32, #tpu.memory_space<vmem>> -> memref<128xi32, #tpu.memory_space<vmem>>
    %dma_wait3A_87 = arith.constant 0 : i32
    %dma_wait3A_88 = arith.constant 0 : i32
    %dma_wait3A_89 = tpu.memref_slice %arg3[%dma_wait3A_87, %dma_wait3A_88] : memref<50176x128xf32, #tpu.memory_space<hbm>> -> memref<50176x128xf32, #tpu.memory_space<hbm>>
    tpu.wait_indirect_dma semaphore(%arg7 : memref<!tpu.dma_semaphore, #tpu.memory_space<semaphore_mem>>) src(%dma_wait3A_89 : memref<50176x128xf32, #tpu.memory_space<hbm>>) dst(%dma_wait3A_83 : memref<128x128xf32, #tpu.memory_space<vmem>>)
    %add3A_90 = arith.constant 256 : i32
    %add3A_91 = arith.addi %mul3A_2, %add3A_90 : i32
    %run_scoped3A_92 = arith.constant 0 : i32
    "tpu.region"() ({
      %run_scoped3A_108 = tpu.sem_alloc : memref<!tpu.dma_semaphore, #tpu.memory_space<semaphore_mem>>
      %dma_start3A_109 = arith.constant 0 : i32
      %dma_start3A_110 = arith.constant 0 : i32
      %dma_start3A_111 = tpu.memref_slice %arg6[%run_scoped3A_92, %dma_start3A_109, %dma_start3A_110] : memref<2x128x128xf32, #tpu.memory_space<vmem>> -> memref<1x128x128xf32, #tpu.memory_space<vmem>>
      %dma_start3A_112 = tpu.memref_squeeze %dma_start3A_111 : memref<1x128x128xf32, #tpu.memory_space<vmem>> -> memref<128x128xf32, #tpu.memory_space<vmem>>
      %dma_start3A_113 = arith.constant 0 : i32
      %dma_start3A_114 = tpu.memref_slice %arg4[%add3A_91, %dma_start3A_113] : memref<16384x128xf32, #tpu.memory_space<hbm>> -> memref<128x128xf32, #tpu.memory_space<hbm>>
      %dma_start3A_115 = arith.constant 0 : i32
      %dma_start3A_116 = tpu.memref_slice %arg4[%add3A_91, %dma_start3A_115] : memref<16384x128xf32, #tpu.memory_space<hbm>> -> memref<128x128xf32, #tpu.memory_space<hbm>>
      %dma_start3A_117 = arith.constant 0 : i32
      %dma_start3A_118 = arith.constant 0 : i32
      %dma_start3A_119 = tpu.memref_slice %arg6[%run_scoped3A_92, %dma_start3A_117, %dma_start3A_118] : memref<2x128x128xf32, #tpu.memory_space<vmem>> -> memref<1x128x128xf32, #tpu.memory_space<vmem>>
      %dma_start3A_120 = tpu.memref_squeeze %dma_start3A_119 : memref<1x128x128xf32, #tpu.memory_space<vmem>> -> memref<128x128xf32, #tpu.memory_space<vmem>>
      tpu.enqueue_dma source(%dma_start3A_120 : memref<128x128xf32, #tpu.memory_space<vmem>>) target(%dma_start3A_116 : memref<128x128xf32, #tpu.memory_space<hbm>>) target_semaphore(%run_scoped3A_108 : memref<!tpu.dma_semaphore, #tpu.memory_space<semaphore_mem>>)
      %dma_wait3A_121 = arith.constant 0 : i32
      %dma_wait3A_122 = arith.constant 0 : i32
      %dma_wait3A_123 = tpu.memref_slice %arg6[%run_scoped3A_92, %dma_wait3A_121, %dma_wait3A_122] : memref<2x128x128xf32, #tpu.memory_space<vmem>> -> memref<1x128x128xf32, #tpu.memory_space<vmem>>
      %dma_wait3A_124 = tpu.memref_squeeze %dma_wait3A_123 : memref<1x128x128xf32, #tpu.memory_space<vmem>> -> memref<128x128xf32, #tpu.memory_space<vmem>>
      %dma_wait3A_125 = arith.constant 0 : i32
      %dma_wait3A_126 = tpu.memref_slice %arg4[%add3A_91, %dma_wait3A_125] : memref<16384x128xf32, #tpu.memory_space<hbm>> -> memref<128x128xf32, #tpu.memory_space<hbm>>
      %dma_wait3A_127 = arith.constant 0 : i32
      %dma_wait3A_128 = tpu.memref_slice %arg4[%add3A_91, %dma_wait3A_127] : memref<16384x128xf32, #tpu.memory_space<hbm>> -> memref<128x128xf32, #tpu.memory_space<hbm>>
      %dma_wait3A_129 = arith.constant 0 : i32
      %dma_wait3A_130 = arith.constant 0 : i32
      %dma_wait3A_131 = tpu.memref_slice %arg6[%run_scoped3A_92, %dma_wait3A_129, %dma_wait3A_130] : memref<2x128x128xf32, #tpu.memory_space<vmem>> -> memref<1x128x128xf32, #tpu.memory_space<vmem>>
      %dma_wait3A_132 = tpu.memref_squeeze %dma_wait3A_131 : memref<1x128x128xf32, #tpu.memory_space<vmem>> -> memref<128x128xf32, #tpu.memory_space<vmem>>
      tpu.wait_dma2 semaphore(%run_scoped3A_108 : memref<!tpu.dma_semaphore, #tpu.memory_space<semaphore_mem>>) src(%dma_wait3A_132 : memref<128x128xf32, #tpu.memory_space<vmem>>) dst(%dma_wait3A_128 : memref<128x128xf32, #tpu.memory_space<hbm>>)
      tpu.yield
    }) : () -> ()
    %dma_wait3A_93 = arith.constant 3 : i32
    %dma_wait3A_94 = arith.constant 1 : i32
    %dma_wait3A_95 = arith.constant 0 : i32
    %dma_wait3A_96 = arith.constant 0 : i32
    %dma_wait3A_97 = tpu.memref_slice %arg6[%dma_wait3A_94, %dma_wait3A_95, %dma_wait3A_96] : memref<2x128x128xf32, #tpu.memory_space<vmem>> -> memref<1x128x128xf32, #tpu.memory_space<vmem>>
    %dma_wait3A_98 = tpu.memref_squeeze %dma_wait3A_97 : memref<1x128x128xf32, #tpu.memory_space<vmem>> -> memref<128x128xf32, #tpu.memory_space<vmem>>
    %dma_wait3A_99 = arith.constant 0 : i32
    %dma_wait3A_100 = tpu.memref_slice %arg5[%dma_wait3A_93, %dma_wait3A_99] : memref<4x128xi32, #tpu.memory_space<vmem>> -> memref<1x128xi32, #tpu.memory_space<vmem>>
    %dma_wait3A_101 = tpu.memref_squeeze %dma_wait3A_100 : memref<1x128xi32, #tpu.memory_space<vmem>> -> memref<128xi32, #tpu.memory_space<vmem>>
    %dma_wait3A_102 = arith.constant 0 : i32
    %dma_wait3A_103 = arith.constant 0 : i32
    %dma_wait3A_104 = tpu.memref_slice %arg3[%dma_wait3A_102, %dma_wait3A_103] : memref<50176x128xf32, #tpu.memory_space<hbm>> -> memref<50176x128xf32, #tpu.memory_space<hbm>>
    tpu.wait_indirect_dma semaphore(%arg7 : memref<!tpu.dma_semaphore, #tpu.memory_space<semaphore_mem>>) src(%dma_wait3A_104 : memref<50176x128xf32, #tpu.memory_space<hbm>>) dst(%dma_wait3A_98 : memref<128x128xf32, #tpu.memory_space<vmem>>)
    %add3A_105 = arith.constant 384 : i32
    %add3A_106 = arith.addi %mul3A_2, %add3A_105 : i32
    %run_scoped3A_107 = arith.constant 1 : i32
    "tpu.region"() ({
      %run_scoped3A_108 = tpu.sem_alloc : memref<!tpu.dma_semaphore, #tpu.memory_space<semaphore_mem>>
      %dma_start3A_109 = arith.constant 0 : i32
      %dma_start3A_110 = arith.constant 0 : i32
      %dma_start3A_111 = tpu.memref_slice %arg6[%run_scoped3A_107, %dma_start3A_109, %dma_start3A_110] : memref<2x128x128xf32, #tpu.memory_space<vmem>> -> memref<1x128x128xf32, #tpu.memory_space<vmem>>
      %dma_start3A_112 = tpu.memref_squeeze %dma_start3A_111 : memref<1x128x128xf32, #tpu.memory_space<vmem>> -> memref<128x128xf32, #tpu.memory_space<vmem>>
      %dma_start3A_113 = arith.constant 0 : i32
      %dma_start3A_114 = tpu.memref_slice %arg4[%add3A_106, %dma_start3A_113] : memref<16384x128xf32, #tpu.memory_space<hbm>> -> memref<128x128xf32, #tpu.memory_space<hbm>>
      %dma_start3A_115 = arith.constant 0 : i32
      %dma_start3A_116 = tpu.memref_slice %arg4[%add3A_106, %dma_start3A_115] : memref<16384x128xf32, #tpu.memory_space<hbm>> -> memref<128x128xf32, #tpu.memory_space<hbm>>
      %dma_start3A_117 = arith.constant 0 : i32
      %dma_start3A_118 = arith.constant 0 : i32
      %dma_start3A_119 = tpu.memref_slice %arg6[%run_scoped3A_107, %dma_start3A_117, %dma_start3A_118] : memref<2x128x128xf32, #tpu.memory_space<vmem>> -> memref<1x128x128xf32, #tpu.memory_space<vmem>>
      %dma_start3A_120 = tpu.memref_squeeze %dma_start3A_119 : memref<1x128x128xf32, #tpu.memory_space<vmem>> -> memref<128x128xf32, #tpu.memory_space<vmem>>
      tpu.enqueue_dma source(%dma_start3A_120 : memref<128x128xf32, #tpu.memory_space<vmem>>) target(%dma_start3A_116 : memref<128x128xf32, #tpu.memory_space<hbm>>) target_semaphore(%run_scoped3A_108 : memref<!tpu.dma_semaphore, #tpu.memory_space<semaphore_mem>>)
      %dma_wait3A_121 = arith.constant 0 : i32
      %dma_wait3A_122 = arith.constant 0 : i32
      %dma_wait3A_123 = tpu.memref_slice %arg6[%run_scoped3A_107, %dma_wait3A_121, %dma_wait3A_122] : memref<2x128x128xf32, #tpu.memory_space<vmem>> -> memref<1x128x128xf32, #tpu.memory_space<vmem>>
      %dma_wait3A_124 = tpu.memref_squeeze %dma_wait3A_123 : memref<1x128x128xf32, #tpu.memory_space<vmem>> -> memref<128x128xf32, #tpu.memory_space<vmem>>
      %dma_wait3A_125 = arith.constant 0 : i32
      %dma_wait3A_126 = tpu.memref_slice %arg4[%add3A_106, %dma_wait3A_125] : memref<16384x128xf32, #tpu.memory_space<hbm>> -> memref<128x128xf32, #tpu.memory_space<hbm>>
      %dma_wait3A_127 = arith.constant 0 : i32
      %dma_wait3A_128 = tpu.memref_slice %arg4[%add3A_106, %dma_wait3A_127] : memref<16384x128xf32, #tpu.memory_space<hbm>> -> memref<128x128xf32, #tpu.memory_space<hbm>>
      %dma_wait3A_129 = arith.constant 0 : i32
      %dma_wait3A_130 = arith.constant 0 : i32
      %dma_wait3A_131 = tpu.memref_slice %arg6[%run_scoped3A_107, %dma_wait3A_129, %dma_wait3A_130] : memref<2x128x128xf32, #tpu.memory_space<vmem>> -> memref<1x128x128xf32, #tpu.memory_space<vmem>>
      %dma_wait3A_132 = tpu.memref_squeeze %dma_wait3A_131 : memref<1x128x128xf32, #tpu.memory_space<vmem>> -> memref<128x128xf32, #tpu.memory_space<vmem>>
      tpu.wait_dma2 semaphore(%run_scoped3A_108 : memref<!tpu.dma_semaphore, #tpu.memory_space<semaphore_mem>>) src(%dma_wait3A_132 : memref<128x128xf32, #tpu.memory_space<vmem>>) dst(%dma_wait3A_128 : memref<128x128xf32, #tpu.memory_space<hbm>>)
      tpu.yield
    }) : () -> ()
    return
  }
}

module attributes {stable_mosaic.version = 14 : i64} {
  func.func @_transpose_block(%arg0: i32, %arg1: memref<64x1024xf32, #tpu.memory_space<vmem>>, %arg2: memref<64x1024xf32, #tpu.memory_space<vmem>>, %arg3: memref<1024x128xf32, #tpu.memory_space<vmem>>) attributes {dimension_semantics = [#tpu.dimension_semantics<arbitrary>], iteration_bounds = array<i64: 49>, scalar_prefetch = 0 : i64, scratch_operands = 0 : i64, tpu.core_type = #tpu.core_type<tc>, window_params = [{transform_indices = @transform_0, window_bounds = array<i64: 64, 1024>}, {transform_indices = @transform_1, window_bounds = array<i64: 64, 1024>}, {transform_indices = @transform_2, window_bounds = array<i64: 1024, 128>}]} {
    %get3A = arith.constant 0 : index
    %get3A_0 = arith.constant 0 : index
    %get3A_1 = vector.load %arg1[%get3A, %get3A_0] : memref<64x1024xf32, #tpu.memory_space<vmem>>, vector<64x1024xf32>
    %get3A_2 = arith.constant 0 : index
    %get3A_3 = arith.constant 0 : index
    %get3A_4 = vector.load %arg2[%get3A_2, %get3A_3] : memref<64x1024xf32, #tpu.memory_space<vmem>>, vector<64x1024xf32>
    %concatenate3A = tpu.concatenate %get3A_1, %get3A_4 in 0 : vector<64x1024xf32>, vector<64x1024xf32> -> vector<128x1024xf32>
    %iota3A = tpu.iota {dimensions = array<i32: 0>} : vector<128x128xi32>
    %iota3A_5 = tpu.iota {dimensions = array<i32: 1>} : vector<128x128xi32>
    %add3A = arith.constant 0 : i32
    %add3A_6 = vector.broadcast %add3A : i32 to vector<128x128xi32>
    %add3A_7 = arith.addi %iota3A, %add3A_6 : vector<128x128xi32>
    %eq3A = arith.cmpi eq, %add3A_7, %iota3A_5 : vector<128x128xi32>
    %convert_element_type3A = arith.extui %eq3A : vector<128x128xi1> to vector<128x128xi32>
    %convert_element_type3A_8 = arith.sitofp %convert_element_type3A : vector<128x128xi32> to vector<128x128xf32>
    %dot_general3A = arith.constant dense<0.000000e+00> : vector<1024x128xf32>
    %dot_general3A_9 = tpu.matmul %concatenate3A, %convert_element_type3A_8, %dot_general3A {dimension_numbers = #tpu.dot_dimension_numbers<[0], [0], [1], [1], [0, 1, 1, 1], [], []>, transpose_lhs_hint = false} : vector<128x1024xf32>, vector<128x128xf32>, vector<1024x128xf32> -> vector<1024x128xf32>
    %swap3A = arith.constant 0 : index
    %swap3A_10 = arith.constant 0 : index
    %swap3A_11 = vector.load %arg3[%swap3A, %swap3A_10] : memref<1024x128xf32, #tpu.memory_space<vmem>>, vector<1024x128xf32>
    tpu.vector_store %arg3[%swap3A, %swap3A_10], %dot_general3A_9 {strides = array<i32>} : memref<1024x128xf32, #tpu.memory_space<vmem>>, vector<1024x128xf32>,
    return
  }
  func.func @transform_0(%arg0: i32) -> (i32, i32) {
    %mul3A = arith.constant 2 : i32
    %mul3A_0 = arith.muli %mul3A, %arg0 : i32
    %c0_i32 = arith.constant 0 : i32
    %c0_i32_1 = arith.constant 0 : i32
    return %c0_i32, %mul3A_0 : i32, i32
  }
  func.func @transform_1(%arg0: i32) -> (i32, i32) {
    %mul3A = arith.constant 2 : i32
    %mul3A_0 = arith.muli %mul3A, %arg0 : i32
    %add3A = arith.constant 1 : i32
    %add3A_1 = arith.addi %mul3A_0, %add3A : i32
    %c0_i32 = arith.constant 0 : i32
    %c0_i32_2 = arith.constant 0 : i32
    return %c0_i32, %add3A_1 : i32, i32
  }
  func.func @transform_2(%arg0: i32) -> (i32, i32) {
    %c0_i32 = arith.constant 0 : i32
    %c0_i32_0 = arith.constant 0 : i32
    return %arg0, %c0_i32 : i32, i32
  }
}

</mosaic_0001>

<sc_bundles>
// kernel: kernel.6.cloned.1.call-start
scs
__scs_entry_jumppad:
0x0: {  	(pc) =	sbr.rel $0x88, $3  }
0x1: {  	(tag) =	ssettag $0x0;
	lr =	simm.s32 $0x1  }
0x2: {  	[smem:$0x3F9E] =	sst lr;
	_ =	strace $0xD0000000  }
0x3: {  	_ = 	snop  }
0x4: {  	_ = 	snop  }
0x5: {  	_ = 	snop  }
0x6: {  	_ = 	snop  }
0x7: {  	_ = 	snop  }
__scs_overlays_trampoline_lowered:
0x8: {  	[smem:$0x3FAD] =	sst s0  }
0x9: {  	[smem:$0x3FAE] =	sst s1  }
0xa: {  	[smem:$0x3FAF] =	sst s2  }
0xb: {  	[smem:$0x3FB0] =	sst s3  }
0xc: {  	[smem:$0x3FB1] =	sst s4  }
0xd: {  	[smem:$0x3FB2] =	sst s5  }
0xe: {  	[smem:$0x3FB3] =	sst s6  }
0xf: {  	[smem:$0x3FB4] =	sst s7  }
0x10: {  	[smem:$0x3FB5] =	sst s8  }
0x11: {  	[smem:$0x3FB6] =	sst s9;
	s0 =	simm.s32 @!p0 $0x0  }
0x12: {  	s1 =	sld [smem:$0x3F9C];
	s0 =	simm.s32 @p0 $0x1  }
0x13: {  	[smem:$0x3FB7] =	sst s0;
	s0 =	simm.s32 @!p1 $0x0  }
0x14: {  	s2 =	sld [smem:$0x3F9B];
	s0 =	simm.s32 @p1 $0x1  }
0x15: {  	[smem:$0x3FB8] =	sst s0;
	s0 =	simm.s32 @!p2 $0x0  }
0x16: {  	s3 =	sld [smem:$0x3FDB];
	s0 =	simm.s32 @p2 $0x1  }
0x17: {  	s4 =	simm.s32 $0x1BF5;
	[smem:$0x3FBA] =	sst s0  }
0x18: {  	s0 =	sld [smem:$0x3F9D];
	_ =	swait.ge [sflag:s4], $0x0  }
0x19: {  	s7 =	sld [smem:$0x3F9E]  }
0x1a: {  	s8 =	sadd.s32 $0xFFFFE003, lr  }
0x1b: {  	s9 =	sadd.s32 $0xFFFFFEF7, lr;
	s5 =	simm.s32 $0xFFFFFFFF;
	p2 =	slt.u32 s8, $0xFFFFF086  }
0x1c: {  	p1 =	slt.u32 s9, $0xF7A;
	s5 =	simm.s32 @!p2 $0x0  }
0x1d: {  	s5 =	simm.s32 @p1 $0x1;
	p0 =	seq.s32 s7, s2  }
0x1e: {  	s7 =	smul.u32 @!p0 $0xF7A, s2;
	p2 =	seq.s32 @!p0 s5, $0x0  }
0x1f: {  	s9 =	smul.u32 $0xF7A, s1;
	s8 =	simm.s32 @!p0 $0x1BF5;
	p2 =	por !p2, p0  }
0x20: {  	[sflag:s8] =	ssyncset.s32 @!p0 $0xFFFFF086;
	s6 =	sadd.s32 @!p0 s3, s7;
	s7 =	simm.s32 @!p0 $0x108  }
0x21: {  	s3 =	sadd.s32 s3, s9;
	s6 =	sadd.s32 @!p0 $0x88, s6;
	s7 =	simm.s32 @p2 $0x1082  }
0x22: {  	[simem:s7], [sflag:s8] =	dma.local @!p0 [hbm:s6], $0xF7A  }
0x23: {  	s9 =	sor.u32 $0xD0000000, s2;
	s6 =	simm.s32 $0x108;
	_ =	swait.ge @!p0 [sflag:s8], $0x0  }
0x24: {  	s3 =	sadd.s32 $0x88, s3;
	s6 =	simm.s32 @!p1 $0x1082;
	[sflag:s4] =	ssyncset.s32 $0xFFFFF086  }
0x25: {  	[simem:s6], [sflag:s4] =	dma.local [hbm:s3], $0xF7A  }
0x26: {  	[smem:$0x3F9E] =	sst s1;
	(tag) =	ssettag s2;
	_ =	strace s9  }
0x27: {  	s1 =	sld [smem:$0x3FAE]  }
0x28: {  	s2 =	sld [smem:$0x3FAF]  }
0x29: {  	s4 =	sld [smem:$0x3FB1]  }
0x2a: {  	p0 =	seq.s32 s5, $0x0;
	s5 =	sld [smem:$0x3FB2]  }
0x2b: {  	s6 =	sld [smem:$0x3FB3]  }
0x2c: {  	s7 =	sld [smem:$0x3FB4]  }
0x2d: {  	s3 =	simm.s32 $0x108;
	s8 =	sld [smem:$0x3FB5]  }
0x2e: {  	s3 =	simm.s32 @!p0 $0x1082;
	s9 =	sld [smem:$0x3FB6]  }
0x2f: {  	lr =	sadd.s32 s0, s3;
	s0 =	sld [smem:$0x3FAD]  }
0x30: {  	s3 =	sld [smem:$0x3FB0]  }
0x31: {  	[smem:$0x3FB9] =	sst s10  }
0x32: {  	s10 =	sld [smem:$0x3FB7];
	_ =	sdelay $0x3  }
0x33: {  	p0 =	seq.s32 s10, $0x1;
	s10 =	sld [smem:$0x3FB9];
	_ =	sdelay $0x3  }
0x34: {  	[smem:$0x3FB9] =	sst s10  }
0x35: {  	s10 =	sld [smem:$0x3FB8];
	_ =	sdelay $0x3  }
0x36: {  	p1 =	seq.s32 s10, $0x1;
	s10 =	sld [smem:$0x3FB9];
	_ =	sdelay $0x3  }
0x37: {  	[smem:$0x3FB9] =	sst s10  }
0x38: {  	s10 =	sld [smem:$0x3FBA]  }
0x39: {  	_ = 	snop;
	(pc) =	sbr.ind lr, $3  }
0x3a: {  	_ = 	snop  }
0x3b: {  	_ = 	snop  }
0x3c: {  	p2 =	seq.s32 s10, $0x1;
	s10 =	sld [smem:$0x3FB9]  }
0x3d: {  	_ =	shalt  }
0x3e: {  	_ =	shalt  }
0x3f: {  	_ =	shalt  }
0x40: {  	_ =	shalt  }
0x41: {  	_ =	shalt  }
0x42: {  	_ =	shalt  }
0x43: {  	_ =	shalt  }
0x44: {  	_ =	shalt  }
0x45: {  	_ =	shalt  }
0x46: {  	_ =	shalt  }
0x47: {  	_ =	shalt  }
0x48: {  	_ =	shalt  }
0x49: {  	_ =	shalt  }
0x4a: {  	_ =	shalt  }
0x4b: {  	_ =	shalt  }
0x4c: {  	_ =	shalt  }
0x4d: {  	_ =	shalt  }
0x4e: {  	_ =	shalt  }
0x4f: {  	_ =	shalt  }
0x50: {  	_ =	shalt  }
0x51: {  	_ =	shalt  }
0x52: {  	_ =	shalt  }
0x53: {  	_ =	shalt  }
0x54: {  	_ =	shalt  }
0x55: {  	_ =	shalt  }
0x56: {  	_ =	shalt  }
0x57: {  	_ =	shalt  }
0x58: {  	_ =	shalt  }
0x59: {  	_ =	shalt  }
0x5a: {  	_ =	shalt  }
0x5b: {  	_ =	shalt  }
0x5c: {  	_ =	shalt  }
0x5d: {  	_ =	shalt  }
0x5e: {  	_ =	shalt  }
0x5f: {  	_ =	shalt  }
0x60: {  	_ =	shalt  }
0x61: {  	_ =	shalt  }
0x62: {  	_ =	shalt  }
0x63: {  	_ =	shalt  }
0x64: {  	_ =	shalt  }
0x65: {  	_ =	shalt  }
0x66: {  	_ =	shalt  }
0x67: {  	_ =	shalt  }
0x68: {  	_ =	shalt  }
0x69: {  	_ =	shalt  }
0x6a: {  	_ =	shalt  }
0x6b: {  	_ =	shalt  }
0x6c: {  	_ =	shalt  }
0x6d: {  	_ =	shalt  }
0x6e: {  	_ =	shalt  }
0x6f: {  	_ =	shalt  }
0x70: {  	_ =	shalt  }
0x71: {  	_ =	shalt  }
0x72: {  	_ =	shalt  }
0x73: {  	_ =	shalt  }
0x74: {  	_ =	shalt  }
0x75: {  	_ =	shalt  }
0x76: {  	_ =	shalt  }
0x77: {  	_ =	shalt  }
0x78: {  	_ =	shalt  }
0x79: {  	_ =	shalt  }
0x7a: {  	_ =	shalt  }
0x7b: {  	_ =	shalt  }
0x7c: {  	_ =	shalt  }
0x7d: {  	_ =	shalt  }
0x7e: {  	_ =	shalt  }
0x7f: {  	_ =	shalt  }
0x80: {  	_ =	shalt  }
0x81: {  	_ =	shalt  }
0x82: {  	_ =	shalt  }
0x83: {  	_ =	shalt  }
0x84: {  	_ =	shalt  }
0x85: {  	_ =	shalt  }
0x86: {  	_ =	shalt  }
0x87: {  	_ =	shalt  }
.Lfunc_end0:
.L_simem_size_0:
called_computation_lowered:
.L_overlay_start_0:
0x88: {  	s2 =	sld [smem:$0x3FD9]  }
0x89: {  	s3 =	sld [smem:$0x3FFE];
	_ =	sdelay $0x1  }
0x8a: {  	s1 =	srdreg.scid  }
0x8b: {  	s0 =	sand.u32 $0x1, s1  }
0x8c: {  	s14 =	sshll.u32 s0, $0xA;
	s2 =	sadd.s32 s3, s2  }
0x8d: {  	s2 =	sadd.s32 s2, s14  }
0x8e: {  	[smem:$0x3FC5] =	sst s2  }
0x8f: {  	_ = 	snop  }
0x90: {  	s2 =	sld [smem:$0x3FD0];
	_ =	sdelay $0x2  }
0x91: {  	s15 =	simm.s32 $0xB;
	s4 =	simm.s32 $0x10  }
0x92: {  	[smem:s4], [sflag:s15] =	dma.local [hbm:s2], $0x1  }
0x93: {  	_ =	swait.eq [sflag:s15], $0x1  }
0x94: {  	[sflag:s15] =	ssyncset.done $0x0  }
0x95: {  	[sflag:s15] =	ssyncadd.s32 $0xFFFFFFFF  }
0x96: {  	s16 =	sld [smem:$0x10];
	(tm) =	ssettm $0x1  }
0x97: {  	s17 =	sld [smem:$0x3FFB];
	_ =	sdelay $0x3  }
0x98: {  	_ =	strace s17  }
0x99: {  	s3 =	sld [smem:$0x3FFC];
	_ =	sdelay $0x3  }
0x9a: {  	_ =	strace s3  }
0x9b: {  	s3 =	sld [smem:$0x3FFD];
	_ =	sdelay $0x3  }
0x9c: {  	_ =	strace s3  }
0x9d: {  	_ =	strace $0x8FFFFFFF  }
0x9e: {  	s18 =	sld [smem:$0x3FDB];
	_ =	sdelay $0x1  }
0x9f: {  	s19 =	simm.s32 $_scs_section_size  }
0xa0: {  	s5 =	simm.s32 $_size__tile_overlayer_lowered;
	s6 =	simm.s32 $_tile_overlayer_lowered  }
0xa1: {  	s22 =	simm.s32 $0x1BFF;
	s21 =	sshll.u32 s6, $0x1;
	s3 =	sadd.s32 s19, s18  }
0xa2: {  	s7 =	simm.s32 $0x0;
	s20 =	sshll.u32 s5, $0x1;
	s5 =	sadd.s32 s21, s3  }
0xa3: {  	[timem:s7], [sflag:s22] =	dma.local [hbm:s5], s20  }
0xa4: {  	_ =	swait.ge [sflag:s22], s20  }
0xa5: {  	s4 =	ssub.s32 $0x0, s20;
	[sflag:s22] =	ssyncset.done $0x0  }
0xa6: {  	[sflag:s22] =	ssyncadd.s32 s4;
	_ =	sdelay $0x1  }
0xa7: {  	s23 =	simm.s32 $0x1B8B  }
0xa8: {  	_ =	swait.ge [sflag:s23], $0x1  }
0xa9: {  	[sflag:s23] =	ssyncset.done $0x0  }
0xaa: {  	s25 =	simm.s32 $0x1B8E;
	s24 =	sld [smem:$0x3FFE];
	[sflag:s23] =	ssyncadd.s32 $0xFFFFFFFF  }
0xab: {  	s26 =	simm.s32 $execute0_lowered;
	[smem:$0x3FD2] =	sst s25  }
0xac: {  	s5 =	sshll.u32 s26, $0x1;
	_ =	strace $0x80000046;
	[dreg:$0x1] =	wrdreg $0xFFFFFFFF  }
0xad: {  	s28 =	simm.s32 $_size_execute0_lowered;
	s3 =	sadd.s32 s3, s5;
	[dreg:$0x0] =	wrdreg $0x0  }
0xae: {  	s5 =	sshll.u32 s28, $0x1;
	[dreg:$0x2] =	wrdreg s3  }
0xaf: {  	[dreg:$0x3] =	wrdreg s5  }
0xb0: {  	[dreg:$0x4] =	wrdreg $0xC0  }
0xb1: {  	_ =	task [dreg:s7], $0x5FFFF  }
0xb2: {  	[dreg:$0x1] =	wrdreg $0xFFFFFFFF  }
0xb3: {  	[dreg:$0x0] =	wrdreg $0x60  }
0xb4: {  	[dreg:$0x2] =	wrdreg s16  }
0xb5: {  	[dreg:$0x3] =	wrdreg s24  }
0xb6: {  	[dreg:$0x4] =	wrdreg $0x9  }
0xb7: {  	_ =	task.clear_ibuf [dreg:s7], $0x5FFFF;
	_ =	strace $0x90000046  }
0xb8: {  	s29 =	simm.s32 $0x9;
	_ =	strace $0x80000048  }
0xb9: {  	_ =	swait.ge [sflag:s29], $0x1  }
0xba: {  	[sflag:s29] =	ssyncadd.s32 $0xFFFFFFFF  }
0xbb: {  	_ =	strace $0x90000048  }
0xbc: {  	_ =	sfence  }
0xbd: {  	s30 =	sld [smem:$0x0];
	_ =	sdelay $0x2  }
0xbe: {  	s31 =	sshll.u32 s1, $0xD;
	s1 =	sshrl.u32 s1, $0x2  }
0xbf: {  	s3 =	sand.u32 $0x4000, s31;
	s1 =	sadd.s32 s1, s30  }
0xc0: {  	s0 =	sor.u32 s3, s0;
	s1 =	sshll.u32 s1, $0x11  }
0xc1: {  	s0 =	sor.u32 s1, s0  }
0xc2: {  	s0 =	sadd.s32 $0x8F2B, s0  }
0xc3: {  	[sflag:s0] =	ssyncadd.remote.s32 $0x1  }
0xc4: {  	_ =	sfence.sel $0xFFFF  }
0xc5: {  	[dreg:$0x0] =	wrdreg $0xFFFFFFFF;
	(pc) =	sbr.abs _section_cstart, $3  }
0xc6: {  	[dreg:$0x1] =	wrdreg $0xFFFFFFFF  }
0xc7: {  	_ =	task.clear_ibuf [dreg:s7], $0x2FFFF;
	_ =	strace $0x9FFFFFFF  }
0xc8: {  	(tm) =	ssettm $0x7FFFFFFF  }
0xc9: {  	_ =	shalt  }
tec
execute0_lowered:
.L_overlay_start_1:
0x0: {  	(tag) =	ssettag $0x1  }
0x1: {  	s1 =	srdreg.scid  }
0x2: {  	s3 =	rddreg [dreg:$0x0];
	s0 =	stileid.u32;
	s15 =	sand.u32 $0x1, s1  }
0x3: {  	s10 =	rddreg [dreg:$0x1];
	s4 =	sshll.u32 s0, $0xA;
	s5 =	sshll.u32 s15, $0x9  }
0x4: {  	s2 =	simm.s32 $0x0;
	s1 =	rddreg [dreg:$0x2];
	s11 =	sor.u32 s5, s4  }
0x5: {  	[smem:$0x7FF] =	sst s2;
	s4 =	sshrl.u32 s11, $0x3  }
0x6: {  	_ =	strace $0x80000047;
	s4 =	sadd.s32 s3, s4;
	s3 =	simm.s32 $0x2  }
0x7: {  	[tilespmem:s2], [sflag:$0x2] =	stream.linear.gather [hbm4b:s4+s2], $0x200, $0x38;
	[tilespmem:$0x8200] =	vst v63  }
0x8: {  	_ =	swait.ge [sflag:s3], $0x200  }
0x9: {  	s6 =	simm.s32 $0x80;
	[sflag:s3] =	ssyncset.done $0x0  }
0xa: {  	s7 =	simm.s32 $0x200;
	s5 =	sadd.s32 $0x600, s10;
	[sflag:s3] =	ssyncadd.s32 $0xFFFFFE00  }
0xb: {  	[tilespmem:s7], [sflag:$0x1] =	stream.indirect.gather [hbm4b:s5+s6], $0x80, s2, s6, $0xb8;
	[tilespmem:$0x8200] =	vst v63  }
0xc: {  	s8 =	simm.s32 $0x4200;
	s9 =	simm.s32 $0x1  }
0xd: {  	[tilespmem:s8], [sflag:$0x1] =	stream.indirect.gather [hbm4b:s5+s6], $0x80, s6, s6, $0xb8;
	[tilespmem:$0x8200] =	vst v63  }
0xe: {  	s11 =	sshll.u32 s11, $0x4;
	_ =	swait.ge [sflag:s9], $0x4000  }
0xf: {  	s16 =	sadd.s32 s11, s10;
	[sflag:s9] =	ssyncset.done $0x0  }
0x10: {  	s10 =	sadd.s32 $0xC4600, s16;
	[sflag:s9] =	ssyncadd.s32 $0xFFFFC000  }
0x11: {  	[hbm4b:s10+s2] =	stream.linear.scatter [tilespmem:s7], [sflag:$0x2], $0x4000, $0x38;
	[tilespmem:$0x8200] =	vst v63  }
0x12: {  	_ =	swait.ge [sflag:s3], $0x4000  }
0x13: {  	[sflag:s3] =	ssyncset.done $0x0  }
0x14: {  	s11 =	simm.s32 $0x100;
	[sflag:s3] =	ssyncadd.s32 $0xFFFFC000  }
0x15: {  	[tilespmem:s7], [sflag:$0x1] =	stream.indirect.gather [hbm4b:s5+s6], $0x80, s11, s6, $0xb8;
	[tilespmem:$0x8200] =	vst v63  }
0x16: {  	_ =	swait.ge [sflag:s9], $0x4000  }
0x17: {  	[sflag:s9] =	ssyncset.done $0x0  }
0x18: {  	s12 =	sadd.s32 $0xC4E00, s16;
	[sflag:s9] =	ssyncadd.s32 $0xFFFFC000  }
0x19: {  	[hbm4b:s12+s2] =	stream.linear.scatter [tilespmem:s8], [sflag:$0x2], $0x4000, $0x38;
	[tilespmem:$0x8200] =	vst v63  }
0x1a: {  	_ =	swait.ge [sflag:s3], $0x4000  }
0x1b: {  	[sflag:s3] =	ssyncset.done $0x0  }
0x1c: {  	s13 =	simm.s32 $0x180;
	[sflag:s3] =	ssyncadd.s32 $0xFFFFC000  }
0x1d: {  	[tilespmem:s8], [sflag:$0x1] =	stream.indirect.gather [hbm4b:s5+s6], $0x80, s13, s6, $0xb8;
	[tilespmem:$0x8200] =	vst v63  }
0x1e: {  	_ =	swait.ge [sflag:s9], $0x4000  }
0x1f: {  	[sflag:s9] =	ssyncset.done $0x0  }
0x20: {  	s15 =	ssub.s32 $0x2, s15;
	s14 =	sadd.s32 $0xC5600, s16;
	[sflag:s9] =	ssyncadd.s32 $0xFFFFC000  }
0x21: {  	[hbm4b:s14+s2] =	stream.linear.scatter [tilespmem:s7], [sflag:$0x2], $0x4000, $0x38;
	[tilespmem:$0x8200] =	vst v63  }
0x22: {  	s17 =	sshrl.u32 s15, $0x1;
	_ =	swait.ge [sflag:s3], $0x4000  }
0x23: {  	s17 =	ssub.s32 s15, s17;
	[sflag:s3] =	ssyncset.done $0x0  }
0x24: {  	s31 =	smax.u32 s17, $0x1;
	[sflag:s3] =	ssyncadd.s32 $0xFFFFC000  }
0x25: {  	p0 =	sne.s32 s31, $0x1;
	_ =	swait.ge [sflag:s9], $0x4000  }
.Ltmp0:
0x26: {  	[sflag:s9] =	ssyncset.done $0x0;
	(pc) =	sbr.rel @!p0 .LBB2_2-.Ltmp0, $4  }
0x27: {  	s15 =	sadd.s32 $0xC5E00, s16;
	[sflag:s9] =	ssyncadd.s32 $0xFFFFC000  }
0x28: {  	[hbm4b:s15+s2] =	stream.linear.scatter [tilespmem:s8], [sflag:$0x2], $0x4000, $0x38;
	[tilespmem:$0x8200] =	vst v63  }
0x29: {  	_ =	swait.ge [sflag:s3], $0x4000  }
0x2a: {  	s16 =	sadd.s32 $0xFFFFFFFF, s31;
	[sflag:s3] =	ssyncset.done $0x0  }
.LBB2_1:
0x2b: {  	p0 =	sne.s32 s16, $0x1;
	s16 =	sadd.s32 $0xFFFFFFFF, s16;
	[sflag:s3] =	ssyncadd.s32 $0xFFFFC000  }
0x2c: {  	[tilespmem:s2], [sflag:$0x2] =	stream.linear.gather [hbm4b:s4+s2], $0x200, $0x38;
	[tilespmem:$0x8200] =	vst v63  }
0x2d: {  	_ =	swait.ge [sflag:s3], $0x200  }
0x2e: {  	[sflag:s3] =	ssyncset.done $0x0  }
0x2f: {  	[sflag:s3] =	ssyncadd.s32 $0xFFFFFE00  }
0x30: {  	[tilespmem:s7], [sflag:$0x1] =	stream.indirect.gather [hbm4b:s5+s6], $0x80, s2, s6, $0xb8;
	[tilespmem:$0x8200] =	vst v63  }
0x31: {  	_ = 	snop  }
0x32: {  	[tilespmem:s8], [sflag:$0x1] =	stream.indirect.gather [hbm4b:s5+s6], $0x80, s6, s6, $0xb8;
	[tilespmem:$0x8200] =	vst v63  }
0x33: {  	_ =	swait.ge [sflag:s9], $0x4000  }
0x34: {  	[sflag:s9] =	ssyncset.done $0x0  }
0x35: {  	[sflag:s9] =	ssyncadd.s32 $0xFFFFC000  }
0x36: {  	[hbm4b:s10+s2] =	stream.linear.scatter [tilespmem:s7], [sflag:$0x2], $0x4000, $0x38;
	[tilespmem:$0x8200] =	vst v63  }
0x37: {  	_ =	swait.ge [sflag:s3], $0x4000  }
0x38: {  	[sflag:s3] =	ssyncset.done $0x0  }
0x39: {  	[sflag:s3] =	ssyncadd.s32 $0xFFFFC000  }
0x3a: {  	[tilespmem:s7], [sflag:$0x1] =	stream.indirect.gather [hbm4b:s5+s6], $0x80, s11, s6, $0xb8;
	[tilespmem:$0x8200] =	vst v63  }
0x3b: {  	_ =	swait.ge [sflag:s9], $0x4000  }
0x3c: {  	[sflag:s9] =	ssyncset.done $0x0  }
0x3d: {  	[sflag:s9] =	ssyncadd.s32 $0xFFFFC000  }
0x3e: {  	[hbm4b:s12+s2] =	stream.linear.scatter [tilespmem:s8], [sflag:$0x2], $0x4000, $0x38;
	[tilespmem:$0x8200] =	vst v63  }
0x3f: {  	_ =	swait.ge [sflag:s3], $0x4000  }
0x40: {  	[sflag:s3] =	ssyncset.done $0x0  }
0x41: {  	[sflag:s3] =	ssyncadd.s32 $0xFFFFC000  }
0x42: {  	[tilespmem:s8], [sflag:$0x1] =	stream.indirect.gather [hbm4b:s5+s6], $0x80, s13, s6, $0xb8;
	[tilespmem:$0x8200] =	vst v63  }
0x43: {  	_ =	swait.ge [sflag:s9], $0x4000  }
0x44: {  	[sflag:s9] =	ssyncset.done $0x0  }
0x45: {  	[sflag:s9] =	ssyncadd.s32 $0xFFFFC000  }
0x46: {  	[hbm4b:s14+s2] =	stream.linear.scatter [tilespmem:s7], [sflag:$0x2], $0x4000, $0x38;
	[tilespmem:$0x8200] =	vst v63  }
0x47: {  	_ =	swait.ge [sflag:s3], $0x4000  }
0x48: {  	[sflag:s3] =	ssyncset.done $0x0  }
0x49: {  	[sflag:s3] =	ssyncadd.s32 $0xFFFFC000  }
0x4a: {  	_ =	swait.ge [sflag:s9], $0x4000  }
.Ltmp1:
0x4b: {  	[sflag:s9] =	ssyncset.done $0x0;
	(pc) =	sbr.rel @p0 .LBB2_1-.Ltmp1, $4  }
0x4c: {  	[sflag:s9] =	ssyncadd.s32 $0xFFFFC000  }
0x4d: {  	[hbm4b:s15+s2] =	stream.linear.scatter [tilespmem:s8], [sflag:$0x2], $0x4000, $0x38;
	[tilespmem:$0x8200] =	vst v63  }
0x4e: {  	_ =	swait.ge [sflag:s3], $0x4000  }
0x4f: {  	[sflag:s3] =	ssyncset.done $0x0  }
.LBB2_2:
0x50: {  	[sflag:s3] =	ssyncadd.s32 $0xFFFFC000  }
0x51: {  	_ =	sfence.sel $0x180000  }
0x52: {  	[bflag:$0x0] =	sbarrier.arrive $0xFFFF  }
0x53: {  	p0 =	sne.s32 s0, $0x0;
	_ =	strace $0x90000047  }
0x54: {  	s0 =	sadd.s32 @!p0 $0x100000, s1;
	[bflag:$0x2] =	sbarrier.arrive $0xFFFF  }
0x55: {  	[sflag:s0] =	ssyncadd.tile.s32 @!p0 $0x1;
	_ =	shalt  }
.Lfunc_end2:
_tile_overlayer_lowered:
.L_overlay_start_2:
0x56: {  	(tag) =	ssettag $0x2  }
0x57: {  	s0 =	rddreg [dreg:$0x0];
	s2 =	stileid.u32  }
0x58: {  	s1 =	rddreg [dreg:$0x1];
	p0 =	sne.s32 s2, $0x0  }
0x59: {  	s3 =	rddreg [dreg:$0x2];
	[bflag:$0x3] =	sbarrier.arrive $0xFFFF;
	s2 =	simm.s32 @!p0 $0x1C02  }
0x5a: {  	[timem:s3], [sflag:s2] =	dma.local @!p0 [hbm:s0], s1  }
0x5b: {  	s0 =	simm.s32 @!p0 $0x2  }
0x5c: {  	_ =	swait.ge @!p0 [sflag:s0], s1  }
0x5d: {  	s1 =	ssub.s32 @!p0 $0x0, s1;
	[sflag:s0] =	ssyncset.done @!p0 $0x0  }
0x5e: {  	[sflag:s0] =	ssyncadd.s32 @!p0 s1  }
0x5f: {  	[bflag:$0x3] =	sbarrier.arrive $0xFFFF  }
0x60: {  	_ =	shalt  }

// kernel: kernel.9.cloned.1.call-start
scs
__scs_entry_jumppad:
0x0: {  	(pc) =	sbr.rel $0x88, $3  }
0x1: {  	(tag) =	ssettag $0x0;
	lr =	simm.s32 $0x1  }
0x2: {  	[smem:$0x3F9E] =	sst lr;
	_ =	strace $0xD0000000  }
0x3: {  	_ = 	snop  }
0x4: {  	_ = 	snop  }
0x5: {  	_ = 	snop  }
0x6: {  	_ = 	snop  }
0x7: {  	_ = 	snop  }
__scs_overlays_trampoline_lowered:
0x8: {  	[smem:$0x3FAD] =	sst s0  }
0x9: {  	[smem:$0x3FAE] =	sst s1  }
0xa: {  	[smem:$0x3FAF] =	sst s2  }
0xb: {  	[smem:$0x3FB0] =	sst s3  }
0xc: {  	[smem:$0x3FB1] =	sst s4  }
0xd: {  	[smem:$0x3FB2] =	sst s5  }
0xe: {  	[smem:$0x3FB3] =	sst s6  }
0xf: {  	[smem:$0x3FB4] =	sst s7  }
0x10: {  	[smem:$0x3FB5] =	sst s8  }
0x11: {  	[smem:$0x3FB6] =	sst s9;
	s0 =	simm.s32 @!p0 $0x0  }
0x12: {  	s1 =	sld [smem:$0x3F9C];
	s0 =	simm.s32 @p0 $0x1  }
0x13: {  	[smem:$0x3FB7] =	sst s0;
	s0 =	simm.s32 @!p1 $0x0  }
0x14: {  	s2 =	sld [smem:$0x3F9B];
	s0 =	simm.s32 @p1 $0x1  }
0x15: {  	[smem:$0x3FB8] =	sst s0;
	s0 =	simm.s32 @!p2 $0x0  }
0x16: {  	s3 =	sld [smem:$0x3FDB];
	s0 =	simm.s32 @p2 $0x1  }
0x17: {  	s4 =	simm.s32 $0x1BF5;
	[smem:$0x3FBA] =	sst s0  }
0x18: {  	s0 =	sld [smem:$0x3F9D];
	_ =	swait.ge [sflag:s4], $0x0  }
0x19: {  	s7 =	sld [smem:$0x3F9E]  }
0x1a: {  	s8 =	sadd.s32 $0xFFFFE003, lr  }
0x1b: {  	s9 =	sadd.s32 $0xFFFFFEF7, lr;
	s5 =	simm.s32 $0xFFFFFFFF;
	p2 =	slt.u32 s8, $0xFFFFF086  }
0x1c: {  	p1 =	slt.u32 s9, $0xF7A;
	s5 =	simm.s32 @!p2 $0x0  }
0x1d: {  	s5 =	simm.s32 @p1 $0x1;
	p0 =	seq.s32 s7, s2  }
0x1e: {  	s7 =	smul.u32 @!p0 $0xF7A, s2;
	p2 =	seq.s32 @!p0 s5, $0x0  }
0x1f: {  	s9 =	smul.u32 $0xF7A, s1;
	s8 =	simm.s32 @!p0 $0x1BF5;
	p2 =	por !p2, p0  }
0x20: {  	[sflag:s8] =	ssyncset.s32 @!p0 $0xFFFFF086;
	s6 =	sadd.s32 @!p0 s3, s7;
	s7 =	simm.s32 @!p0 $0x108  }
0x21: {  	s3 =	sadd.s32 s3, s9;
	s6 =	sadd.s32 @!p0 $0x88, s6;
	s7 =	simm.s32 @p2 $0x1082  }
0x22: {  	[simem:s7], [sflag:s8] =	dma.local @!p0 [hbm:s6], $0xF7A  }
0x23: {  	s9 =	sor.u32 $0xD0000000, s2;
	s6 =	simm.s32 $0x108;
	_ =	swait.ge @!p0 [sflag:s8], $0x0  }
0x24: {  	s3 =	sadd.s32 $0x88, s3;
	s6 =	simm.s32 @!p1 $0x1082;
	[sflag:s4] =	ssyncset.s32 $0xFFFFF086  }
0x25: {  	[simem:s6], [sflag:s4] =	dma.local [hbm:s3], $0xF7A  }
0x26: {  	[smem:$0x3F9E] =	sst s1;
	(tag) =	ssettag s2;
	_ =	strace s9  }
0x27: {  	s1 =	sld [smem:$0x3FAE]  }
0x28: {  	s2 =	sld [smem:$0x3FAF]  }
0x29: {  	s4 =	sld [smem:$0x3FB1]  }
0x2a: {  	p0 =	seq.s32 s5, $0x0;
	s5 =	sld [smem:$0x3FB2]  }
0x2b: {  	s6 =	sld [smem:$0x3FB3]  }
0x2c: {  	s7 =	sld [smem:$0x3FB4]  }
0x2d: {  	s3 =	simm.s32 $0x108;
	s8 =	sld [smem:$0x3FB5]  }
0x2e: {  	s3 =	simm.s32 @!p0 $0x1082;
	s9 =	sld [smem:$0x3FB6]  }
0x2f: {  	lr =	sadd.s32 s0, s3;
	s0 =	sld [smem:$0x3FAD]  }
0x30: {  	s3 =	sld [smem:$0x3FB0]  }
0x31: {  	[smem:$0x3FB9] =	sst s10  }
0x32: {  	s10 =	sld [smem:$0x3FB7];
	_ =	sdelay $0x3  }
0x33: {  	p0 =	seq.s32 s10, $0x1;
	s10 =	sld [smem:$0x3FB9];
	_ =	sdelay $0x3  }
0x34: {  	[smem:$0x3FB9] =	sst s10  }
0x35: {  	s10 =	sld [smem:$0x3FB8];
	_ =	sdelay $0x3  }
0x36: {  	p1 =	seq.s32 s10, $0x1;
	s10 =	sld [smem:$0x3FB9];
	_ =	sdelay $0x3  }
0x37: {  	[smem:$0x3FB9] =	sst s10  }
0x38: {  	s10 =	sld [smem:$0x3FBA]  }
0x39: {  	_ = 	snop;
	(pc) =	sbr.ind lr, $3  }
0x3a: {  	_ = 	snop  }
0x3b: {  	_ = 	snop  }
0x3c: {  	p2 =	seq.s32 s10, $0x1;
	s10 =	sld [smem:$0x3FB9]  }
0x3d: {  	_ =	shalt  }
0x3e: {  	_ =	shalt  }
0x3f: {  	_ =	shalt  }
0x40: {  	_ =	shalt  }
0x41: {  	_ =	shalt  }
0x42: {  	_ =	shalt  }
0x43: {  	_ =	shalt  }
0x44: {  	_ =	shalt  }
0x45: {  	_ =	shalt  }
0x46: {  	_ =	shalt  }
0x47: {  	_ =	shalt  }
0x48: {  	_ =	shalt  }
0x49: {  	_ =	shalt  }
0x4a: {  	_ =	shalt  }
0x4b: {  	_ =	shalt  }
0x4c: {  	_ =	shalt  }
0x4d: {  	_ =	shalt  }
0x4e: {  	_ =	shalt  }
0x4f: {  	_ =	shalt  }
0x50: {  	_ =	shalt  }
0x51: {  	_ =	shalt  }
0x52: {  	_ =	shalt  }
0x53: {  	_ =	shalt  }
0x54: {  	_ =	shalt  }
0x55: {  	_ =	shalt  }
0x56: {  	_ =	shalt  }
0x57: {  	_ =	shalt  }
0x58: {  	_ =	shalt  }
0x59: {  	_ =	shalt  }
0x5a: {  	_ =	shalt  }
0x5b: {  	_ =	shalt  }
0x5c: {  	_ =	shalt  }
0x5d: {  	_ =	shalt  }
0x5e: {  	_ =	shalt  }
0x5f: {  	_ =	shalt  }
0x60: {  	_ =	shalt  }
0x61: {  	_ =	shalt  }
0x62: {  	_ =	shalt  }
0x63: {  	_ =	shalt  }
0x64: {  	_ =	shalt  }
0x65: {  	_ =	shalt  }
0x66: {  	_ =	shalt  }
0x67: {  	_ =	shalt  }
0x68: {  	_ =	shalt  }
0x69: {  	_ =	shalt  }
0x6a: {  	_ =	shalt  }
0x6b: {  	_ =	shalt  }
0x6c: {  	_ =	shalt  }
0x6d: {  	_ =	shalt  }
0x6e: {  	_ =	shalt  }
0x6f: {  	_ =	shalt  }
0x70: {  	_ =	shalt  }
0x71: {  	_ =	shalt  }
0x72: {  	_ =	shalt  }
0x73: {  	_ =	shalt  }
0x74: {  	_ =	shalt  }
0x75: {  	_ =	shalt  }
0x76: {  	_ =	shalt  }
0x77: {  	_ =	shalt  }
0x78: {  	_ =	shalt  }
0x79: {  	_ =	shalt  }
0x7a: {  	_ =	shalt  }
0x7b: {  	_ =	shalt  }
0x7c: {  	_ =	shalt  }
0x7d: {  	_ =	shalt  }
0x7e: {  	_ =	shalt  }
0x7f: {  	_ =	shalt  }
0x80: {  	_ =	shalt  }
0x81: {  	_ =	shalt  }
0x82: {  	_ =	shalt  }
0x83: {  	_ =	shalt  }
0x84: {  	_ =	shalt  }
0x85: {  	_ =	shalt  }
0x86: {  	_ =	shalt  }
0x87: {  	_ =	shalt  }
.Lfunc_end0:
.L_simem_size_0:
called_computation.1_lowered:
.L_overlay_start_0:
0x88: {  	s2 =	sld [smem:$0x3FD9]  }
0x89: {  	s3 =	sld [smem:$0x3FFE];
	_ =	sdelay $0x1  }
0x8a: {  	s1 =	srdreg.scid  }
0x8b: {  	s0 =	sand.u32 $0x1, s1  }
0x8c: {  	s15 =	sshll.u32 s0, $0xA;
	s2 =	sadd.s32 s3, s2  }
0x8d: {  	s2 =	sadd.s32 s2, s15  }
0x8e: {  	[smem:$0x3FC5] =	sst s2  }
0x8f: {  	_ = 	snop  }
0x90: {  	s2 =	sld [smem:$0x3FD0];
	_ =	sdelay $0x2  }
0x91: {  	s16 =	simm.s32 $0xB;
	s4 =	simm.s32 $0x10  }
0x92: {  	[smem:s4], [sflag:s16] =	dma.local [hbm:s2], $0x1  }
0x93: {  	_ =	swait.eq [sflag:s16], $0x1  }
0x94: {  	[sflag:s16] =	ssyncset.done $0x0  }
0x95: {  	[sflag:s16] =	ssyncadd.s32 $0xFFFFFFFF  }
0x96: {  	s17 =	sld [smem:$0x11];
	(tm) =	ssettm $0x1  }
0x97: {  	s18 =	sld [smem:$0x3FFB];
	_ =	sdelay $0x3  }
0x98: {  	_ =	strace s18  }
0x99: {  	s2 =	sld [smem:$0x3FFC];
	_ =	sdelay $0x3  }
0x9a: {  	_ =	strace s2  }
0x9b: {  	s2 =	sld [smem:$0x3FFD];
	_ =	sdelay $0x3  }
0x9c: {  	_ =	strace s2  }
0x9d: {  	_ =	strace $0x8FFFFFFF  }
0x9e: {  	s19 =	sld [smem:$0x3FDB];
	_ =	sdelay $0x1  }
0x9f: {  	s20 =	simm.s32 $_scs_section_size  }
0xa0: {  	s5 =	simm.s32 $_size__tile_overlayer_lowered;
	s6 =	simm.s32 $_tile_overlayer_lowered  }
0xa1: {  	s7 =	simm.s32 $0x1BFF;
	s21 =	sshll.u32 s6, $0x1;
	s4 =	sadd.s32 s20, s19  }
0xa2: {  	s22 =	simm.s32 $0x0;
	s5 =	sshll.u32 s5, $0x1;
	s6 =	sadd.s32 s21, s4  }
0xa3: {  	[timem:s22], [sflag:s7] =	dma.local [hbm:s6], s5  }
0xa4: {  	_ =	swait.ge [sflag:s7], s5  }
0xa5: {  	s5 =	ssub.s32 $0x0, s5;
	[sflag:s7] =	ssyncset.done $0x0  }
0xa6: {  	[sflag:s7] =	ssyncadd.s32 s5;
	_ =	sdelay $0x1  }
0xa7: {  	s23 =	simm.s32 $0x1B8B  }
0xa8: {  	_ =	swait.ge [sflag:s23], $0x1  }
0xa9: {  	[sflag:s23] =	ssyncset.done $0x0  }
0xaa: {  	[sflag:s23] =	ssyncadd.s32 $0xFFFFFFFF  }
0xab: {  	s5 =	sld [smem:$0x0]  }
0xac: {  	s6 =	sand.u32 $0xFFFFFFFE, s1  }
0xad: {  	p0 =	sne.s32 s1, s6  }
0xae: {  	s6 =	sshll.u32 @p0 s6, $0xE  }
0xaf: {  	s6 =	sadd.s32 @p0 $0x11B8D, s6;
	s7 =	sshll.u32 @p0 s5, $0x11  }
0xb0: {  	s6 =	sor.u32 @p0 s7, s6  }
0xb1: {  	[sflag:s6] =	ssyncadd.remote.s32 @p0 $0x1;
	_ =	sdelay $0x1  }
0xb2: {  	s6 =	simm.s32 @p0 $0x1B8D  }
0xb3: {  	_ =	swait.eq @p0 [sflag:s6], $0x1  }
0xb4: {  	[sflag:s6] =	ssyncadd.s32 @p0 $0xFFFFFFFF  }
0xb5: {  	s7 =	sshll.u32 @!p0 s1, $0xE  }
0xb6: {  	s7 =	sor.u32 @!p0 $0x4000, s7;
	s6 =	simm.s32 @!p0 $0x1B8D  }
0xb7: {  	s5 =	sshll.u32 @!p0 s5, $0x11;
	s7 =	sadd.s32 @!p0 $0x11B8D, s7;
	_ =	swait.eq @!p0 [sflag:s6], $0x1  }
0xb8: {  	s5 =	sor.u32 @!p0 s5, s7;
	[sflag:s6] =	ssyncadd.s32 @!p0 $0xFFFFFFFF  }
0xb9: {  	s25 =	simm.s32 $0x1B8E;
	s24 =	sld [smem:$0x3FFE];
	[sflag:s5] =	ssyncadd.remote.s32 @!p0 $0x1  }
0xba: {  	s26 =	simm.s32 $execute0_lowered;
	[smem:$0x3FD2] =	sst s25  }
0xbb: {  	s6 =	sshll.u32 s26, $0x1;
	_ =	strace $0x80000049;
	[dreg:$0x1] =	wrdreg $0xFFFFFFFF  }
0xbc: {  	s28 =	simm.s32 $_size_execute0_lowered;
	s4 =	sadd.s32 s4, s6;
	[dreg:$0x0] =	wrdreg $0x0  }
0xbd: {  	s6 =	sshll.u32 s28, $0x1;
	[dreg:$0x2] =	wrdreg s4  }
0xbe: {  	[dreg:$0x3] =	wrdreg s6  }
0xbf: {  	[dreg:$0x4] =	wrdreg $0xC0  }
0xc0: {  	_ =	task [dreg:s22], $0x5FFFF  }
0xc1: {  	[dreg:$0x1] =	wrdreg $0xFFFFFFFF  }
0xc2: {  	[dreg:$0x0] =	wrdreg $0x60  }
0xc3: {  	[dreg:$0x2] =	wrdreg s17  }
0xc4: {  	[dreg:$0x3] =	wrdreg s24  }
0xc5: {  	[dreg:$0x4] =	wrdreg $0xA  }
0xc6: {  	_ =	task.clear_ibuf [dreg:s22], $0x5FFFF;
	_ =	strace $0x90000049  }
0xc7: {  	s29 =	simm.s32 $0xA;
	_ =	strace $0x8000004B  }
0xc8: {  	_ =	swait.ge [sflag:s29], $0x1  }
0xc9: {  	[sflag:s29] =	ssyncadd.s32 $0xFFFFFFFF  }
0xca: {  	_ =	strace $0x9000004B  }
0xcb: {  	_ =	sfence  }
0xcc: {  	s30 =	sld [smem:$0x0];
	_ =	sdelay $0x2  }
0xcd: {  	s31 =	sshll.u32 s1, $0xD;
	s1 =	sshrl.u32 s1, $0x2  }
0xce: {  	s4 =	sand.u32 $0x4000, s31;
	s1 =	sadd.s32 s1, s30  }
0xcf: {  	s0 =	sor.u32 s4, s0;
	s1 =	sshll.u32 s1, $0x11  }
0xd0: {  	s0 =	sor.u32 s1, s0  }
0xd1: {  	s0 =	sadd.s32 $0x8F2B, s0  }
0xd2: {  	[sflag:s0] =	ssyncadd.remote.s32 $0x1  }
0xd3: {  	_ =	sfence.sel $0xFFFF  }
0xd4: {  	[dreg:$0x0] =	wrdreg $0xFFFFFFFF;
	(pc) =	sbr.abs _section_cstart, $3  }
0xd5: {  	[dreg:$0x1] =	wrdreg $0xFFFFFFFF  }
0xd6: {  	_ =	task.clear_ibuf [dreg:s22], $0x2FFFF;
	_ =	strace $0x9FFFFFFF  }
0xd7: {  	(tm) =	ssettm $0x7FFFFFFF  }
tec
execute0_lowered:
.L_overlay_start_1:
0x0: {  	(tag) =	ssettag $0x1  }
0x1: {  	s1 =	srdreg.scid  }
0x2: {  	s3 =	rddreg [dreg:$0x0];
	s0 =	stileid.u32;
	s15 =	sand.u32 $0x1, s1  }
0x3: {  	s10 =	rddreg [dreg:$0x1];
	s4 =	sshll.u32 s0, $0xA;
	s5 =	sshll.u32 s15, $0x9  }
0x4: {  	s2 =	simm.s32 $0x0;
	s1 =	rddreg [dreg:$0x2];
	s11 =	sor.u32 s5, s4  }
0x5: {  	[smem:$0x7FF] =	sst s2;
	s4 =	sshrl.u32 s11, $0x3  }
0x6: {  	_ =	strace $0x8000004A;
	s4 =	sadd.s32 s3, s4;
	s3 =	simm.s32 $0x2  }
0x7: {  	[tilespmem:s2], [sflag:$0x2] =	stream.linear.gather [hbm4b:s4+s2], $0x200, $0x38;
	[tilespmem:$0x8200] =	vst v63  }
0x8: {  	_ =	swait.ge [sflag:s3], $0x200  }
0x9: {  	s6 =	simm.s32 $0x80;
	[sflag:s3] =	ssyncset.done $0x0  }
0xa: {  	s7 =	simm.s32 $0x200;
	s5 =	sadd.s32 $0x104600, s10;
	[sflag:s3] =	ssyncadd.s32 $0xFFFFFE00  }
0xb: {  	[tilespmem:s7], [sflag:$0x1] =	stream.indirect.gather [hbm4b:s5+s6], $0x80, s2, s6, $0xb8;
	[tilespmem:$0x8200] =	vst v63  }
0xc: {  	s8 =	simm.s32 $0x4200;
	s9 =	simm.s32 $0x1  }
0xd: {  	[tilespmem:s8], [sflag:$0x1] =	stream.indirect.gather [hbm4b:s5+s6], $0x80, s6, s6, $0xb8;
	[tilespmem:$0x8200] =	vst v63  }
0xe: {  	s11 =	sshll.u32 s11, $0x4;
	_ =	swait.ge [sflag:s9], $0x4000  }
0xf: {  	s16 =	sadd.s32 s11, s10;
	[sflag:s9] =	ssyncset.done $0x0  }
0x10: {  	s10 =	sadd.s32 $0x1C8600, s16;
	[sflag:s9] =	ssyncadd.s32 $0xFFFFC000  }
0x11: {  	[hbm4b:s10+s2] =	stream.linear.scatter [tilespmem:s7], [sflag:$0x2], $0x4000, $0x38;
	[tilespmem:$0x8200] =	vst v63  }
0x12: {  	_ =	swait.ge [sflag:s3], $0x4000  }
0x13: {  	[sflag:s3] =	ssyncset.done $0x0  }
0x14: {  	s11 =	simm.s32 $0x100;
	[sflag:s3] =	ssyncadd.s32 $0xFFFFC000  }
0x15: {  	[tilespmem:s7], [sflag:$0x1] =	stream.indirect.gather [hbm4b:s5+s6], $0x80, s11, s6, $0xb8;
	[tilespmem:$0x8200] =	vst v63  }
0x16: {  	_ =	swait.ge [sflag:s9], $0x4000  }
0x17: {  	[sflag:s9] =	ssyncset.done $0x0  }
0x18: {  	s12 =	sadd.s32 $0x1C8E00, s16;
	[sflag:s9] =	ssyncadd.s32 $0xFFFFC000  }
0x19: {  	[hbm4b:s12+s2] =	stream.linear.scatter [tilespmem:s8], [sflag:$0x2], $0x4000, $0x38;
	[tilespmem:$0x8200] =	vst v63  }
0x1a: {  	_ =	swait.ge [sflag:s3], $0x4000  }
0x1b: {  	[sflag:s3] =	ssyncset.done $0x0  }
0x1c: {  	s13 =	simm.s32 $0x180;
	[sflag:s3] =	ssyncadd.s32 $0xFFFFC000  }
0x1d: {  	[tilespmem:s8], [sflag:$0x1] =	stream.indirect.gather [hbm4b:s5+s6], $0x80, s13, s6, $0xb8;
	[tilespmem:$0x8200] =	vst v63  }
0x1e: {  	_ =	swait.ge [sflag:s9], $0x4000  }
0x1f: {  	[sflag:s9] =	ssyncset.done $0x0  }
0x20: {  	s15 =	ssub.s32 $0x2, s15;
	s14 =	sadd.s32 $0x1C9600, s16;
	[sflag:s9] =	ssyncadd.s32 $0xFFFFC000  }
0x21: {  	[hbm4b:s14+s2] =	stream.linear.scatter [tilespmem:s7], [sflag:$0x2], $0x4000, $0x38;
	[tilespmem:$0x8200] =	vst v63  }
0x22: {  	s17 =	sshrl.u32 s15, $0x1;
	_ =	swait.ge [sflag:s3], $0x4000  }
0x23: {  	s17 =	ssub.s32 s15, s17;
	[sflag:s3] =	ssyncset.done $0x0  }
0x24: {  	s31 =	smax.u32 s17, $0x1;
	[sflag:s3] =	ssyncadd.s32 $0xFFFFC000  }
0x25: {  	p0 =	sne.s32 s31, $0x1;
	_ =	swait.ge [sflag:s9], $0x4000  }
.Ltmp0:
0x26: {  	[sflag:s9] =	ssyncset.done $0x0;
	(pc) =	sbr.rel @!p0 .LBB2_2-.Ltmp0, $4  }
0x27: {  	s15 =	sadd.s32 $0x1C9E00, s16;
	[sflag:s9] =	ssyncadd.s32 $0xFFFFC000  }
0x28: {  	[hbm4b:s15+s2] =	stream.linear.scatter [tilespmem:s8], [sflag:$0x2], $0x4000, $0x38;
	[tilespmem:$0x8200] =	vst v63  }
0x29: {  	_ =	swait.ge [sflag:s3], $0x4000  }
0x2a: {  	s16 =	sadd.s32 $0xFFFFFFFF, s31;
	[sflag:s3] =	ssyncset.done $0x0  }
.LBB2_1:
0x2b: {  	p0 =	sne.s32 s16, $0x1;
	s16 =	sadd.s32 $0xFFFFFFFF, s16;
	[sflag:s3] =	ssyncadd.s32 $0xFFFFC000  }
0x2c: {  	[tilespmem:s2], [sflag:$0x2] =	stream.linear.gather [hbm4b:s4+s2], $0x200, $0x38;
	[tilespmem:$0x8200] =	vst v63  }
0x2d: {  	_ =	swait.ge [sflag:s3], $0x200  }
0x2e: {  	[sflag:s3] =	ssyncset.done $0x0  }
0x2f: {  	[sflag:s3] =	ssyncadd.s32 $0xFFFFFE00  }
0x30: {  	[tilespmem:s7], [sflag:$0x1] =	stream.indirect.gather [hbm4b:s5+s6], $0x80, s2, s6, $0xb8;
	[tilespmem:$0x8200] =	vst v63  }
0x31: {  	_ = 	snop  }
0x32: {  	[tilespmem:s8], [sflag:$0x1] =	stream.indirect.gather [hbm4b:s5+s6], $0x80, s6, s6, $0xb8;
	[tilespmem:$0x8200] =	vst v63  }
0x33: {  	_ =	swait.ge [sflag:s9], $0x4000  }
0x34: {  	[sflag:s9] =	ssyncset.done $0x0  }
0x35: {  	[sflag:s9] =	ssyncadd.s32 $0xFFFFC000  }
0x36: {  	[hbm4b:s10+s2] =	stream.linear.scatter [tilespmem:s7], [sflag:$0x2], $0x4000, $0x38;
	[tilespmem:$0x8200] =	vst v63  }
0x37: {  	_ =	swait.ge [sflag:s3], $0x4000  }
0x38: {  	[sflag:s3] =	ssyncset.done $0x0  }
0x39: {  	[sflag:s3] =	ssyncadd.s32 $0xFFFFC000  }
0x3a: {  	[tilespmem:s7], [sflag:$0x1] =	stream.indirect.gather [hbm4b:s5+s6], $0x80, s11, s6, $0xb8;
	[tilespmem:$0x8200] =	vst v63  }
0x3b: {  	_ =	swait.ge [sflag:s9], $0x4000  }
0x3c: {  	[sflag:s9] =	ssyncset.done $0x0  }
0x3d: {  	[sflag:s9] =	ssyncadd.s32 $0xFFFFC000  }
0x3e: {  	[hbm4b:s12+s2] =	stream.linear.scatter [tilespmem:s8], [sflag:$0x2], $0x4000, $0x38;
	[tilespmem:$0x8200] =	vst v63  }
0x3f: {  	_ =	swait.ge [sflag:s3], $0x4000  }
0x40: {  	[sflag:s3] =	ssyncset.done $0x0  }
0x41: {  	[sflag:s3] =	ssyncadd.s32 $0xFFFFC000  }
0x42: {  	[tilespmem:s8], [sflag:$0x1] =	stream.indirect.gather [hbm4b:s5+s6], $0x80, s13, s6, $0xb8;
	[tilespmem:$0x8200] =	vst v63  }
0x43: {  	_ =	swait.ge [sflag:s9], $0x4000  }
0x44: {  	[sflag:s9] =	ssyncset.done $0x0  }
0x45: {  	[sflag:s9] =	ssyncadd.s32 $0xFFFFC000  }
0x46: {  	[hbm4b:s14+s2] =	stream.linear.scatter [tilespmem:s7], [sflag:$0x2], $0x4000, $0x38;
	[tilespmem:$0x8200] =	vst v63  }
0x47: {  	_ =	swait.ge [sflag:s3], $0x4000  }
0x48: {  	[sflag:s3] =	ssyncset.done $0x0  }
0x49: {  	[sflag:s3] =	ssyncadd.s32 $0xFFFFC000  }
0x4a: {  	_ =	swait.ge [sflag:s9], $0x4000  }
.Ltmp1:
0x4b: {  	[sflag:s9] =	ssyncset.done $0x0;
	(pc) =	sbr.rel @p0 .LBB2_1-.Ltmp1, $4  }
0x4c: {  	[sflag:s9] =	ssyncadd.s32 $0xFFFFC000  }
0x4d: {  	[hbm4b:s15+s2] =	stream.linear.scatter [tilespmem:s8], [sflag:$0x2], $0x4000, $0x38;
	[tilespmem:$0x8200] =	vst v63  }
0x4e: {  	_ =	swait.ge [sflag:s3], $0x4000  }
0x4f: {  	[sflag:s3] =	ssyncset.done $0x0  }
.LBB2_2:
0x50: {  	[sflag:s3] =	ssyncadd.s32 $0xFFFFC000  }
0x51: {  	_ =	sfence.sel $0x180000  }
0x52: {  	[bflag:$0x0] =	sbarrier.arrive $0xFFFF  }
0x53: {  	p0 =	sne.s32 s0, $0x0;
	_ =	strace $0x9000004A  }
0x54: {  	s0 =	sadd.s32 @!p0 $0x100000, s1;
	[bflag:$0x2] =	sbarrier.arrive $0xFFFF  }
0x55: {  	[sflag:s0] =	ssyncadd.tile.s32 @!p0 $0x1;
	_ =	shalt  }
.Lfunc_end2:
_tile_overlayer_lowered:
.L_overlay_start_2:
0x56: {  	(tag) =	ssettag $0x2  }
0x57: {  	s0 =	rddreg [dreg:$0x0];
	s2 =	stileid.u32  }
0x58: {  	s1 =	rddreg [dreg:$0x1];
	p0 =	sne.s32 s2, $0x0  }
0x59: {  	s3 =	rddreg [dreg:$0x2];
	[bflag:$0x3] =	sbarrier.arrive $0xFFFF;
	s2 =	simm.s32 @!p0 $0x1C02  }
0x5a: {  	[timem:s3], [sflag:s2] =	dma.local @!p0 [hbm:s0], s1  }
0x5b: {  	s0 =	simm.s32 @!p0 $0x2  }
0x5c: {  	_ =	swait.ge @!p0 [sflag:s0], s1  }
0x5d: {  	s1 =	ssub.s32 @!p0 $0x0, s1;
	[sflag:s0] =	ssyncset.done @!p0 $0x0  }
0x5e: {  	[sflag:s0] =	ssyncadd.s32 @!p0 s1  }
0x5f: {  	[bflag:$0x3] =	sbarrier.arrive $0xFFFF  }
0x60: {  	_ =	shalt  }

</sc_bundles>
